<compile_context>
chip_gen: v7x
topology: tpu7x:2x2x1
jax: 0.10.2.dev20260603
libtpu: 0.0.44.dev20260713+nightly
codegen_flags: <defaults>
</compile_context>

<pallas_src>
import dataclasses
import functools

import jax
import jax.numpy as jnp
from jax import lax
from jax.experimental import pallas as pl
from jax.experimental.pallas import tpu as pltpu
from jax.experimental.pallas import tpu_sc as plsc

N = 16384
D_IN = 2048
D_H = 1024
TILE_M = 1024
TILE_E = 512
R = 128
NW = 32
ROWS_PW = R // NW
RPW = TILE_E
CH = 16
MAXC_PW = RPW // CH


def _mesh():
    return plsc.VectorSubcoreMesh(core_axis_name="c", subcore_axis_name="s")


def _sc_params():
    cp = pltpu.CompilerParams()
    if "needs_layout_passes" in pltpu.CompilerParams.__dataclass_fields__:
        cp = dataclasses.replace(cp, needs_layout_passes=False)
    return cp


def _dot(a, b):
    return lax.dot_general(a, b, (((1,), (0,)), ((), ())),
                           preferred_element_type=jnp.float32)


def _route_body(lv_ref, dst_ref, k1_ref, opad_ref):
    lv = lv_ref[...]
    m = (lv == 0).astype(jnp.float32)
    r = lax.broadcasted_iota(jnp.int32, (R, R), 0)
    c = lax.broadcasted_iota(jnp.int32, (R, R), 1)
    upper = (r < c).astype(jnp.float32)
    lower = (c < r).astype(jnp.float32)
    e = _dot(m, upper)
    s = e[:, R - 1:R] + m[:, R - 1:R]
    off = _dot(lower, s)

    wg = lax.broadcasted_iota(jnp.int32, (NW, R), 0)
    rg = lax.broadcasted_iota(jnp.int32, (NW, R), 1)
    grp = (rg // ROWS_PW == wg).astype(jnp.float32)
    cw = (_dot(grp, s) + 0.5).astype(jnp.int32)
    cpad16 = ((cw + 15) // 16).astype(jnp.float32)
    kpad = 16 * jnp.sum(cpad16).astype(jnp.int32)

    rw = lax.broadcasted_iota(jnp.int32, (R, NW), 0)
    ww = lax.broadcasted_iota(jnp.int32, (R, NW), 1)
    expl = (ww < rw // ROWS_PW).astype(jnp.float32)
    opad128 = 16.0 * _dot(expl, cpad16)
    lower4 = (c < (r // ROWS_PW) * ROWS_PW).astype(jnp.float32)
    off4 = _dot(lower4, s)
    dd = (opad128 - off4 + 0.5).astype(jnp.int32)
    pos = (e + off + 0.5).astype(jnp.int32) + dd
    dst_ref[...] = jnp.where(lv == 0, pos, N)
    k1_ref[0] = kpad

    w1 = lax.broadcasted_iota(jnp.int32, (NW, NW), 0)
    w2 = lax.broadcasted_iota(jnp.int32, (NW, NW), 1)
    lw32 = (w2 < w1).astype(jnp.float32)
    opad_ref[...] = (16.0 * _dot(lw32, cpad16) + 0.5).astype(jnp.int32)


def _route(lv2d):
    return pl.pallas_call(
        _route_body,
        out_shape=(
            jax.ShapeDtypeStruct((R, R), jnp.int32),
            jax.ShapeDtypeStruct((1,), jnp.int32),
            jax.ShapeDtypeStruct((NW, 1), jnp.int32),
        ),
        out_specs=(
            pl.BlockSpec((R, R), lambda: (0, 0)),
            pl.BlockSpec(memory_space=pltpu.SMEM),
            pl.BlockSpec((NW, 1), lambda: (0, 0)),
        ),
    )(lv2d)


def _gather_rows(dst, x):
  f = functools.partial(
      pl.kernel,
      out_type=jax.ShapeDtypeStruct((N, D_IN), jnp.float32),
      mesh=_mesh(),
      compiler_params=_sc_params(),
      scratch_types=[
          pltpu.VMEM((2 * ROWS_PW, R), jnp.int32),
          pltpu.VMEM((RPW,), jnp.int32),
          pltpu.VMEM((CH,), jnp.int32),
          pltpu.VMEM((CH,), jnp.int32),
          pltpu.VMEM((CH, D_IN), jnp.float32),
          pltpu.VMEM((CH, D_IN), jnp.float32),
          pltpu.SemaphoreType.DMA,
          pltpu.SemaphoreType.DMA,
          pltpu.SemaphoreType.DMA,
          pltpu.SemaphoreType.DMA,
      ],
  )

  @f
  def body(dst_hbm, x_hbm, xc_hbm, dst_v, lw, iv0, iv1, rows0,
           rows1, sg0, sg1, sw0, sw1):
    wid = lax.axis_index("s") * 2 + lax.axis_index("c")
    pltpu.sync_copy(dst_hbm.at[pl.ds((wid // 2) * 2 * ROWS_PW, 2 * ROWS_PW)],
                    dst_v)
    half = (wid % 2) * ROWS_PW
    lane = lax.iota(jnp.int32, 16)

    def grp(g, carry):
        cnt, mn = carry
        d16 = dst_v[half + g // 8, pl.ds((g % 8) * 16, 16)]
        msk = d16 < N
        ids = wid * RPW + g * 16 + lane
        plsc.store_compressed(lw.at[pl.ds(cnt, 16)], ids, mask=msk)
        return (cnt + jnp.sum(msk.astype(jnp.int32), axis=0),
                jnp.minimum(mn, d16))

    cnt, mn = lax.fori_loop(
        0, 32, grp, (jnp.int32(0), jnp.full((16,), N, jnp.int32)))
    p16 = jnp.min(mn, axis=0) // CH
    ivs = (iv0, iv1)
    rows = (rows0, rows1)
    sgs = (sg0, sg1)
    sws = (sw0, sw1)

    @pl.loop(0, MAXC_PW, step=2)
    def _pair(cl):
        for b in range(2):
            @pl.when((cl + b) * CH < cnt)
            def _(b=b):
                c = cl + b
                ivs[b][...] = plsc.load_gather(
                    lw, [jnp.minimum(c * CH + lane, cnt - 1)])
                pltpu.make_async_copy(x_hbm.at[ivs[b]], rows[b],
                                      sgs[b]).start()
        for b in range(2):
            @pl.when((cl + b) * CH < cnt)
            def _(b=b):
                c = cl + b
                pltpu.make_async_copy(x_hbm.at[ivs[b]], rows[b],
                                      sgs[b]).wait()
                pltpu.make_async_copy(
                    rows[b], xc_hbm.at[pl.ds((p16 + c) * CH, CH)],
                    sws[b]).start()
        for b in range(2):
            @pl.when((cl + b) * CH < cnt)
            def _(b=b):
                c = cl + b
                pltpu.make_async_copy(
                    rows[b], xc_hbm.at[pl.ds((p16 + c) * CH, CH)],
                    sws[b]).wait()

  return body(dst, x)


def _mlp_body(k_ref, x_ref, w1_ref, b1_ref, w2_ref, b2_ref, w3_ref, b3_ref,
              o_ref):
    nt = (k_ref[0] + TILE_M - 1) // TILE_M

    @pl.when(pl.program_id(0) < nt)
    def _():
        xb = x_ref[...].astype(jnp.bfloat16)
        h1 = lax.dot_general(xb, w1_ref[...], (((1,), (0,)), ((), ())),
                             preferred_element_type=jnp.float32)
        h1 = jnp.maximum(h1 + b1_ref[...][None, :], 0.0).astype(jnp.bfloat16)
        h2 = lax.dot_general(h1, w2_ref[...], (((1,), (0,)), ((), ())),
                             preferred_element_type=jnp.float32)
        h2 = jnp.maximum(h2 + b2_ref[...][None, :], 0.0)
        out = lax.dot_general(h2, w3_ref[...], (((1,), (0,)), ((), ())),
                              preferred_element_type=jnp.float32)
        o_ref[...] = out + b3_ref[...][None, :]


def _mlp(k1, xc, w1b, b1, w2b, b2, W3, b3):
    def _x_map(i, kr):
        nt = (kr[0] + TILE_M - 1) // TILE_M
        return (jnp.minimum(i, jnp.maximum(nt - 1, 0)), 0)

    grid_spec = pltpu.PrefetchScalarGridSpec(
        num_scalar_prefetch=1,
        grid=(N // TILE_M,),
        in_specs=[
            pl.BlockSpec((TILE_M, D_IN), _x_map),
            pl.BlockSpec((D_IN, D_H), lambda i, kr: (0, 0)),
            pl.BlockSpec((D_H,), lambda i, kr: (0,)),
            pl.BlockSpec((D_H, D_H), lambda i, kr: (0, 0)),
            pl.BlockSpec((D_H,), lambda i, kr: (0,)),
            pl.BlockSpec((D_H, 1), lambda i, kr: (0, 0)),
            pl.BlockSpec((1,), lambda i, kr: (0,)),
        ],
        out_specs=pl.BlockSpec((TILE_M, 1), lambda i, kr: (i, 0)),
    )
    return pl.pallas_call(
        _mlp_body,
        grid_spec=grid_spec,
        out_shape=jax.ShapeDtypeStruct((N + TILE_E, 1), jnp.float32),
    )(k1, xc, w1b, b1, w2b, b2, W3, b3)


def _expand_body(tb_ref, dst_ref, lv_ref, lo_ref, hi_ref, o_ref):
    i = pl.program_id(0)
    base = (tb_ref[i] // TILE_E) * TILE_E
    rel = dst_ref[...] - base
    sel = lv_ref[...] == 0
    hi_idx = jnp.where(sel, rel // R, -1)
    lo_idx = rel % R
    cols8 = lax.broadcasted_iota(jnp.int32, (TILE_E, 8), 1)
    cols128 = lax.broadcasted_iota(jnp.int32, (TILE_E, R), 1)
    a = (hi_idx == cols8).astype(jnp.float32)
    b = (lo_idx == cols128).astype(jnp.float32)
    w8 = jnp.concatenate([lo_ref[0], hi_ref[0]], axis=0)
    w8 = jnp.where(jnp.isfinite(w8), w8, 0.0)
    cvals = lax.dot_general(b, w8, (((1,), (1,)), ((), ())),
                            preferred_element_type=jnp.float32,
                            precision=lax.Precision.HIGHEST)
    o_ref[...] = jnp.sum(a * cvals, axis=1, keepdims=True)


def _expand(tb, dstf, lvf, ocr):
    grid_spec = pltpu.PrefetchScalarGridSpec(
        num_scalar_prefetch=1,
        grid=(N // TILE_E,),
        in_specs=[
            pl.BlockSpec((TILE_E, 1), lambda i, tb: (i, 0)),
            pl.BlockSpec((TILE_E, 1), lambda i, tb: (i, 0)),
            pl.BlockSpec((1, 4, R), lambda i, tb: (tb[i] // TILE_E, 0, 0)),
            pl.BlockSpec((1, 4, R), lambda i, tb: (tb[i] // TILE_E + 1, 0, 0)),
        ],
        out_specs=pl.BlockSpec((TILE_E, 1), lambda i, tb: (i, 0)),
    )
    return pl.pallas_call(
        _expand_body,
        grid_spec=grid_spec,
        out_shape=jax.ShapeDtypeStruct((N, 1), jnp.float32),
    )(tb, dstf, lvf, ocr, ocr)


def kernel(x, levels, W1, b1, W2, b2, W3, b3):
    lv2d = levels.astype(jnp.int32).reshape(R, R)
    w1b = W1.astype(jnp.bfloat16)
    w2b = W2.astype(jnp.bfloat16)

    dst, k1, opad = _route(lv2d)
    xc = _gather_rows(dst, x)
    oc = _mlp(k1, xc, w1b, b1, w2b, b2, W3, b3)
    ocr = oc.reshape((N + TILE_E) // TILE_E, 4, R)
    tb = opad[:, 0]
    res = _expand(tb, dst.reshape(N, 1), lv2d.reshape(N, 1), ocr)
    return res

# --- scband reference (transcript-rebuilt; emitter-appended) ---
"""Pipeline reference for scband-dains-head-13391708028973 (READ-ONLY COPY).

The authoritative reference and input builder live on the scoring server;
editing this copy changes nothing except your own understanding.
"""

import jax, jax.numpy as jnp
import numpy as np

IN_CHANNELS = 2048
HIDDEN = 1024
N = 16384
NUM_LEVELS = 4


def setup_inputs(seed: int = 0) -> dict:
    key = jax.random.key(seed)
    k_x, k_lv, k1, k2, k3 = jax.random.split(key, 5)
    x = jax.random.normal(k_x, (N, IN_CHANNELS), dtype=jnp.float32)
    levels = jax.random.randint(k_lv, (N,), 0, NUM_LEVELS, dtype=jnp.int64) if jax.config.jax_enable_x64 else jax.random.randint(k_lv, (N,), 0, NUM_LEVELS, dtype=jnp.int32)
    # Only level-0 weights are ever used: the original forward returns inside the loop
    # after the first iteration, so levels 1..3 branches are dead code.
    W1 = 0.01 * jax.random.normal(k1, (IN_CHANNELS, HIDDEN), dtype=jnp.float32)
    b1 = jnp.zeros((HIDDEN,), dtype=jnp.float32)
    W2 = 0.01 * jax.random.normal(k2, (HIDDEN, HIDDEN), dtype=jnp.float32)
    b2 = jnp.zeros((HIDDEN,), dtype=jnp.float32)
    W3 = 0.01 * jax.random.normal(k3, (HIDDEN, 1), dtype=jnp.float32)
    b3 = jnp.zeros((1,), dtype=jnp.float32)
    return {"x": x, "levels": levels, "W1": W1, "b1": b1, "W2": W2, "b2": b2, "W3": W3, "b3": b3}


def reference(x, levels, W1, b1, W2, b2, W3, b3):
    # Faithful to the torch code: `return result` sits INSIDE the for loop,
    # so only level 0 is processed. Dropout is identity (eval mode).
    result = jnp.zeros((x.shape[0], 1), dtype=x.dtype)
    mask = levels == 0
    xs = jax.nn.relu(x @ W1 + b1)
    xs = jax.nn.relu(xs @ W2 + b2)
    out = xs @ W3 + b3
    result = jnp.where(mask[:, None], out, result)
    return result

if __name__ == "__main__":
    import jax
    _d = setup_inputs()
    print(jax.jit(kernel)(*tuple(_d.values())))

</pallas_src>

<mosaic_0001>
#map = affine_map<(d0, d1) -> (0, 0)>
module attributes {stable_mosaic.version = 14 : i64} {
  func.func @body(%arg0: i32, %arg1: i32, %arg2: memref<128x128xi32, #tpu.memory_space<hbm>>, %arg3: memref<16384x2048xf32, #tpu.memory_space<hbm>>, %arg4: memref<16384x2048xf32, #tpu.memory_space<hbm>>, %arg5: memref<8x128xi32, #tpu.memory_space<vmem>>, %arg6: memref<512xi32, #tpu.memory_space<vmem>>, %arg7: memref<16xi32, #tpu.memory_space<vmem>>, %arg8: memref<16xi32, #tpu.memory_space<vmem>>, %arg9: memref<16x2048xf32, #tpu.memory_space<vmem>>, %arg10: memref<16x2048xf32, #tpu.memory_space<vmem>>, %arg11: memref<!tpu.dma_semaphore, #tpu.memory_space<semaphore_mem>>, %arg12: memref<!tpu.dma_semaphore, #tpu.memory_space<semaphore_mem>>, %arg13: memref<!tpu.dma_semaphore, #tpu.memory_space<semaphore_mem>>, %arg14: memref<!tpu.dma_semaphore, #tpu.memory_space<semaphore_mem>>) attributes {dimension_semantics = [#tpu.dimension_semantics<core_parallel>, #tpu.dimension_semantics<subcore_parallel>], iteration_bounds = array<i64: 2, 16>, scalar_prefetch = 0 : i64, scratch_operands = 10 : i64, tpu.core_type = #tpu.core_type<sc_vector_subcore>, window_params = [{transform_indices = #map}, {transform_indices = #map}, {transform_indices = #map}]} {
    %mul3A = arith.constant 2 : i32
    %mul3A_0 = arith.muli %arg1, %mul3A : i32
    %add3A = arith.addi %mul3A_0, %arg0 : i32
    %jit3A = arith.constant 2 : i32
    %div3A = arith.divsi %add3A, %jit3A : i32
    %sign3A = arith.constant 0 : i32
    %sign3A_1 = arith.cmpi sgt, %add3A, %sign3A : i32
    %sign3A_2 = arith.extui %sign3A_1 : i1 to i32
    %sign3A_3 = arith.constant 0 : i32
    %sign3A_4 = arith.cmpi slt, %add3A, %sign3A_3 : i32
    %sign3A_5 = arith.extui %sign3A_4 : i1 to i32
    %sign3A_6 = arith.subi %sign3A_2, %sign3A_5 : i32
    %sign3A_7 = arith.constant 0 : i32
    %sign3A_8 = arith.cmpi sgt, %jit3A, %sign3A_7 : i32
    %sign3A_9 = arith.extui %sign3A_8 : i1 to i32
    %sign3A_10 = arith.constant 0 : i32
    %sign3A_11 = arith.cmpi slt, %jit3A, %sign3A_10 : i32
    %sign3A_12 = arith.extui %sign3A_11 : i1 to i32
    %sign3A_13 = arith.subi %sign3A_9, %sign3A_12 : i32
    %ne3A = arith.cmpi ne, %sign3A_6, %sign3A_13 : i32
    %rem3A = arith.remsi %add3A, %jit3A : i32
    %ne3A_14 = arith.constant 0 : i32
    %ne3A_15 = arith.cmpi ne, %rem3A, %ne3A_14 : i32
    %and3A = arith.andi %ne3A, %ne3A_15 : i1
    %sub3A = arith.constant 1 : i32
    %sub3A_16 = arith.subi %div3A, %sub3A : i32
    %select_n3A = arith.select %and3A, %sub3A_16, %div3A : i32
    %mul3A_17 = arith.constant 2 : i32
    %mul3A_18 = arith.muli %select_n3A, %mul3A_17 : i32
    %mul3A_19 = arith.constant 4 : i32
    %mul3A_20 = arith.muli %mul3A_18, %mul3A_19 : i32
    "tpu.region"() ({
      %run_scoped3A = tpu.sem_alloc : memref<!tpu.dma_semaphore, #tpu.memory_space<semaphore_mem>>
      %dma_start3A = arith.constant 0 : i32
      %dma_start3A_80 = tpu.memref_slice %arg2[%mul3A_20, %dma_start3A] : memref<128x128xi32, #tpu.memory_space<hbm>> -> memref<8x128xi32, #tpu.memory_space<hbm>>
      %dma_start3A_81 = arith.constant 0 : i32
      %dma_start3A_82 = tpu.memref_slice %arg2[%mul3A_20, %dma_start3A_81] : memref<128x128xi32, #tpu.memory_space<hbm>> -> memref<8x128xi32, #tpu.memory_space<hbm>>
      tpu.enqueue_dma source(%dma_start3A_82 : memref<8x128xi32, #tpu.memory_space<hbm>>) target(%arg5 : memref<8x128xi32, #tpu.memory_space<vmem>>) target_semaphore(%run_scoped3A : memref<!tpu.dma_semaphore, #tpu.memory_space<semaphore_mem>>)
      %dma_wait3A = arith.constant 0 : i32
      %dma_wait3A_83 = tpu.memref_slice %arg2[%mul3A_20, %dma_wait3A] : memref<128x128xi32, #tpu.memory_space<hbm>> -> memref<8x128xi32, #tpu.memory_space<hbm>>
      %dma_wait3A_84 = arith.constant 0 : i32
      %dma_wait3A_85 = tpu.memref_slice %arg2[%mul3A_20, %dma_wait3A_84] : memref<128x128xi32, #tpu.memory_space<hbm>> -> memref<8x128xi32, #tpu.memory_space<hbm>>
      tpu.wait_dma2 semaphore(%run_scoped3A : memref<!tpu.dma_semaphore, #tpu.memory_space<semaphore_mem>>) src(%dma_wait3A_85 : memref<8x128xi32, #tpu.memory_space<hbm>>) dst(%arg5 : memref<8x128xi32, #tpu.memory_space<vmem>>)
      tpu.yield
    }) : () -> ()
    %jit3A_21 = arith.constant 2 : i32
    %eq3A = arith.constant 0 : i32
    %eq3A_22 = arith.cmpi eq, %jit3A_21, %eq3A : i32
    %jit3A_23 = arith.constant 1 : i32
    %select_n3A_24 = arith.select %eq3A_22, %jit3A_23, %jit3A_21 : i32
    %rem3A_25 = arith.remsi %add3A, %select_n3A_24 : i32
    %ne3A_26 = arith.constant 0 : i32
    %ne3A_27 = arith.cmpi ne, %rem3A_25, %ne3A_26 : i32
    %lt3A = arith.constant 0 : i32
    %lt3A_28 = arith.cmpi slt, %rem3A_25, %lt3A : i32
    %lt3A_29 = arith.constant 0 : i32
    %lt3A_30 = arith.cmpi slt, %select_n3A_24, %lt3A_29 : i32
    %ne3A_31 = arith.xori %lt3A_28, %lt3A_30 : i1
    %and3A_32 = arith.andi %ne3A_31, %ne3A_27 : i1
    %add3A_33 = arith.addi %rem3A_25, %select_n3A_24 : i32
    %select_n3A_34 = arith.select %and3A_32, %add3A_33, %rem3A_25 : i32
    %mul3A_35 = arith.constant 4 : i32
    %mul3A_36 = arith.muli %select_n3A_34, %mul3A_35 : i32
    %iota3A = tpu.iota {dimensions = array<i32: 0>} : vector<16xi32>
    %broadcast_in_dim3A = arith.constant 16384 : i32
    %broadcast_in_dim3A_37 = vector.broadcast %broadcast_in_dim3A : i32 to vector<16xi32>
    %scan3A = arith.constant 0 : i32
    %scan3A_38 = arith.constant 0 : i32
    %scan3A_39 = arith.constant 32 : i32
    %scan3A_40 = arith.addi %scan3A_38, %scan3A_39 : i32
    %scan3A_41 = arith.constant 1 : i32
    %scan3A_42:2 = scf.for %scan3A_80 = %scan3A_38 to %scan3A_40 step %scan3A_41 iter_args(%scan3A_81 = %scan3A, %scan3A_82 = %broadcast_in_dim3A_37) -> (i32, vector<16xi32>)  : i32 {
      %jit3A_83 = arith.constant 8 : i32
      %div3A_84 = arith.divsi %scan3A_80, %jit3A_83 : i32
      %sign3A_85 = arith.constant 0 : i32
      %sign3A_86 = arith.cmpi sgt, %scan3A_80, %sign3A_85 : i32
      %sign3A_87 = arith.extui %sign3A_86 : i1 to i32
      %sign3A_88 = arith.constant 0 : i32
      %sign3A_89 = arith.cmpi slt, %scan3A_80, %sign3A_88 : i32
      %sign3A_90 = arith.extui %sign3A_89 : i1 to i32
      %sign3A_91 = arith.subi %sign3A_87, %sign3A_90 : i32
      %sign3A_92 = arith.constant 0 : i32
      %sign3A_93 = arith.cmpi sgt, %jit3A_83, %sign3A_92 : i32
      %sign3A_94 = arith.extui %sign3A_93 : i1 to i32
      %sign3A_95 = arith.constant 0 : i32
      %sign3A_96 = arith.cmpi slt, %jit3A_83, %sign3A_95 : i32
      %sign3A_97 = arith.extui %sign3A_96 : i1 to i32
      %sign3A_98 = arith.subi %sign3A_94, %sign3A_97 : i32
      %ne3A_99 = arith.cmpi ne, %sign3A_91, %sign3A_98 : i32
      %rem3A_100 = arith.remsi %scan3A_80, %jit3A_83 : i32
      %ne3A_101 = arith.constant 0 : i32
      %ne3A_102 = arith.cmpi ne, %rem3A_100, %ne3A_101 : i32
      %and3A_103 = arith.andi %ne3A_99, %ne3A_102 : i1
      %sub3A_104 = arith.constant 1 : i32
      %sub3A_105 = arith.subi %div3A_84, %sub3A_104 : i32
      %select_n3A_106 = arith.select %and3A_103, %sub3A_105, %div3A_84 : i32
      %add3A_107 = arith.addi %mul3A_36, %select_n3A_106 : i32
      %jit3A_108 = arith.constant 8 : i32
      %eq3A_109 = arith.constant 0 : i32
      %eq3A_110 = arith.cmpi eq, %jit3A_108, %eq3A_109 : i32
      %jit3A_111 = arith.constant 1 : i32
      %select_n3A_112 = arith.select %eq3A_110, %jit3A_111, %jit3A_108 : i32
      %rem3A_113 = arith.remsi %scan3A_80, %select_n3A_112 : i32
      %ne3A_114 = arith.constant 0 : i32
      %ne3A_115 = arith.cmpi ne, %rem3A_113, %ne3A_114 : i32
      %lt3A_116 = arith.constant 0 : i32
      %lt3A_117 = arith.cmpi slt, %rem3A_113, %lt3A_116 : i32
      %lt3A_118 = arith.constant 0 : i32
      %lt3A_119 = arith.cmpi slt, %select_n3A_112, %lt3A_118 : i32
      %ne3A_120 = arith.xori %lt3A_117, %lt3A_119 : i1
      %and3A_121 = arith.andi %ne3A_120, %ne3A_115 : i1
      %add3A_122 = arith.addi %rem3A_113, %select_n3A_112 : i32
      %select_n3A_123 = arith.select %and3A_121, %add3A_122, %rem3A_113 : i32
      %mul3A_124 = arith.constant 16 : i32
      %mul3A_125 = arith.muli %select_n3A_123, %mul3A_124 : i32
      %get3A = arith.index_cast %add3A_107 : i32 to index
      %get3A_126 = arith.index_cast %mul3A_125 : i32 to index
      %get3A_127 = tpu.vector_load %arg5[%get3A, %get3A_126] {strides = array<i32>} : memref<8x128xi32, #tpu.memory_space<vmem>>, vector<16xi32>,
      %lt3A_128 = arith.constant 16384 : i32
      %lt3A_129 = vector.broadcast %lt3A_128 : i32 to vector<16xi32>
      %lt3A_130 = arith.cmpi slt, %get3A_127, %lt3A_129 : vector<16xi32>
      %mul3A_131 = arith.constant 512 : i32
      %mul3A_132 = arith.muli %add3A, %mul3A_131 : i32
      %mul3A_133 = arith.constant 16 : i32
      %mul3A_134 = arith.muli %scan3A_80, %mul3A_133 : i32
      %add3A_135 = arith.addi %mul3A_132, %mul3A_134 : i32
      %add3A_136 = vector.broadcast %add3A_135 : i32 to vector<16xi32>
      %add3A_137 = arith.addi %add3A_136, %iota3A : vector<16xi32>
      %swap3A = arith.index_cast %scan3A_81 : i32 to index
      %swap3A_138 = tpu.vector_load %arg6[%swap3A] masked %lt3A_130 {strides = array<i32>} : memref<512xi32, #tpu.memory_space<vmem>>, vector<16xi32>, vector<16xi1>
      tpu.vector_store %arg6[%swap3A], %add3A_137 masked %lt3A_130 {strides = array<i32>} : memref<512xi32, #tpu.memory_space<vmem>>, vector<16xi32>, vector<16xi1>
      %convert_element_type3A = arith.extui %lt3A_130 : vector<16xi1> to vector<16xi32>
      %reduce_sum3A = arith.constant true
      %reduce_sum3A_139 = vector.broadcast %reduce_sum3A : i1 to vector<16xi1>
      %reduce_sum3A_140 = tpu.scan <sum>, %convert_element_type3A masked %reduce_sum3A_139 : vector<16xi32>, vector<16xi1> -> vector<16xi32>
      %reduce_sum3A_141 = vector.extract %reduce_sum3A_140[15] : i32 from vector<16xi32>
      %add3A_142 = arith.addi %scan3A_81, %reduce_sum3A_141 : i32
      %min3A = arith.minsi %scan3A_82, %get3A_127 : vector<16xi32>
      scf.yield %add3A_142, %min3A : i32, vector<16xi32>
    }
    %scan3A_43 = arith.constant 32 : i32
    %reduce_min3A = arith.constant true
    %reduce_min3A_44 = vector.broadcast %reduce_min3A : i1 to vector<16xi1>
    %reduce_min3A_45 = arith.constant -2147483648 : i32
    %reduce_min3A_46 = vector.broadcast %reduce_min3A_45 : i32 to vector<16xi32>
    %reduce_min3A_47 = arith.xori %scan3A_42#1, %reduce_min3A_46 : vector<16xi32>
    %reduce_min3A_48 = tpu.scan <min>, %reduce_min3A_47 masked %reduce_min3A_44 : vector<16xi32>, vector<16xi1> -> vector<16xi32>
    %reduce_min3A_49 = arith.xori %reduce_min3A_48, %reduce_min3A_46 : vector<16xi32>
    %reduce_min3A_50 = vector.extract %reduce_min3A_49[15] : i32 from vector<16xi32>
    %jit3A_51 = arith.constant 16 : i32
    %div3A_52 = arith.divsi %reduce_min3A_50, %jit3A_51 : i32
    %sign3A_53 = arith.constant 0 : i32
    %sign3A_54 = arith.cmpi sgt, %reduce_min3A_50, %sign3A_53 : i32
    %sign3A_55 = arith.extui %sign3A_54 : i1 to i32
    %sign3A_56 = arith.constant 0 : i32
    %sign3A_57 = arith.cmpi slt, %reduce_min3A_50, %sign3A_56 : i32
    %sign3A_58 = arith.extui %sign3A_57 : i1 to i32
    %sign3A_59 = arith.subi %sign3A_55, %sign3A_58 : i32
    %sign3A_60 = arith.constant 0 : i32
    %sign3A_61 = arith.cmpi sgt, %jit3A_51, %sign3A_60 : i32
    %sign3A_62 = arith.extui %sign3A_61 : i1 to i32
    %sign3A_63 = arith.constant 0 : i32
    %sign3A_64 = arith.cmpi slt, %jit3A_51, %sign3A_63 : i32
    %sign3A_65 = arith.extui %sign3A_64 : i1 to i32
    %sign3A_66 = arith.subi %sign3A_62, %sign3A_65 : i32
    %ne3A_67 = arith.cmpi ne, %sign3A_59, %sign3A_66 : i32
    %rem3A_68 = arith.remsi %reduce_min3A_50, %jit3A_51 : i32
    %ne3A_69 = arith.constant 0 : i32
    %ne3A_70 = arith.cmpi ne, %rem3A_68, %ne3A_69 : i32
    %and3A_71 = arith.andi %ne3A_67, %ne3A_70 : i1
    %sub3A_72 = arith.constant 1 : i32
    %sub3A_73 = arith.subi %div3A_52, %sub3A_72 : i32
    %select_n3A_74 = arith.select %and3A_71, %sub3A_73, %div3A_52 : i32
    %scan3A_75 = arith.constant 0 : i32
    %scan3A_76 = arith.constant 16 : i32
    %scan3A_77 = arith.addi %scan3A_75, %scan3A_76 : i32
    %scan3A_78 = arith.constant 1 : i32
    scf.for %scan3A_80 = %scan3A_75 to %scan3A_77 step %scan3A_78  : i32 {
      %mul3A_81 = arith.constant 2 : i32
      %mul3A_82 = arith.muli %scan3A_80, %mul3A_81 : i32
      %add3A_83 = arith.constant 0 : i32
      %add3A_84 = arith.addi %add3A_83, %mul3A_82 : i32
      %add3A_85 = arith.constant 0 : i32
      %add3A_86 = arith.addi %add3A_84, %add3A_85 : i32
      %mul3A_87 = arith.constant 16 : i32
      %mul3A_88 = arith.muli %add3A_86, %mul3A_87 : i32
      %lt3A_89 = arith.cmpi slt, %mul3A_88, %scan3A_42#0 : i32
      %convert_element_type3A = arith.extui %lt3A_89 : i1 to i32
      %cond3A = arith.constant 0 : i32
      %cond3A_90 = arith.cmpi ne, %convert_element_type3A, %cond3A : i32
      scf.if %cond3A_90 {
        %add3A_131 = arith.constant 0 : i32
        %add3A_132 = arith.addi %add3A_84, %add3A_131 : i32
        %mul3A_133 = arith.constant 16 : i32
        %mul3A_134 = arith.muli %add3A_132, %mul3A_133 : i32
        %add3A_135 = vector.broadcast %mul3A_134 : i32 to vector<16xi32>
        %add3A_136 = arith.addi %add3A_135, %iota3A : vector<16xi32>
        %sub3A_137 = arith.constant 1 : i32
        %sub3A_138 = arith.subi %scan3A_42#0, %sub3A_137 : i32
        %min3A = vector.broadcast %sub3A_138 : i32 to vector<16xi32>
        %min3A_139 = arith.minsi %add3A_136, %min3A : vector<16xi32>
        %gather3A = tpu.vector_load_idx %arg6[%min3A_139] : memref<512xi32, #tpu.memory_space<vmem>>[vector<16xi32>], vector<16xi32>,
        %swap3A = arith.constant 0 : index
        %swap3A_140 = tpu.vector_load %arg7[%swap3A] {strides = array<i32>} : memref<16xi32, #tpu.memory_space<vmem>>, vector<16xi32>,
        tpu.vector_store %arg7[%swap3A], %gather3A {strides = array<i32>} : memref<16xi32, #tpu.memory_space<vmem>>, vector<16xi32>,
        %dma_start3A = arith.constant 0 : i32
        %dma_start3A_141 = arith.constant 0 : i32
        %dma_start3A_142 = tpu.memref_slice %arg3[%dma_start3A, %dma_start3A_141] : memref<16384x2048xf32, #tpu.memory_space<hbm>> -> memref<16384x2048xf32, #tpu.memory_space<hbm>>
        tpu.enqueue_indirect_dma source(%dma_start3A_142 : memref<16384x2048xf32, #tpu.memory_space<hbm>>) target(%arg9 : memref<16x2048xf32, #tpu.memory_space<vmem>>) offsets(%arg7 : memref<16xi32, #tpu.memory_space<vmem>>) semaphore(%arg11 : memref<!tpu.dma_semaphore, #tpu.memory_space<semaphore_mem>>)
      } else {
      }
      %add3A_91 = arith.constant 1 : i32
      %add3A_92 = arith.addi %add3A_84, %add3A_91 : i32
      %mul3A_93 = arith.constant 16 : i32
      %mul3A_94 = arith.muli %add3A_92, %mul3A_93 : i32
      %lt3A_95 = arith.cmpi slt, %mul3A_94, %scan3A_42#0 : i32
      %convert_element_type3A_96 = arith.extui %lt3A_95 : i1 to i32
      %cond3A_97 = arith.constant 0 : i32
      %cond3A_98 = arith.cmpi ne, %convert_element_type3A_96, %cond3A_97 : i32
      scf.if %cond3A_98 {
        %add3A_131 = arith.constant 1 : i32
        %add3A_132 = arith.addi %add3A_84, %add3A_131 : i32
        %mul3A_133 = arith.constant 16 : i32
        %mul3A_134 = arith.muli %add3A_132, %mul3A_133 : i32
        %add3A_135 = vector.broadcast %mul3A_134 : i32 to vector<16xi32>
        %add3A_136 = arith.addi %add3A_135, %iota3A : vector<16xi32>
        %sub3A_137 = arith.constant 1 : i32
        %sub3A_138 = arith.subi %scan3A_42#0, %sub3A_137 : i32
        %min3A = vector.broadcast %sub3A_138 : i32 to vector<16xi32>
        %min3A_139 = arith.minsi %add3A_136, %min3A : vector<16xi32>
        %gather3A = tpu.vector_load_idx %arg6[%min3A_139] : memref<512xi32, #tpu.memory_space<vmem>>[vector<16xi32>], vector<16xi32>,
        %swap3A = arith.constant 0 : index
        %swap3A_140 = tpu.vector_load %arg8[%swap3A] {strides = array<i32>} : memref<16xi32, #tpu.memory_space<vmem>>, vector<16xi32>,
        tpu.vector_store %arg8[%swap3A], %gather3A {strides = array<i32>} : memref<16xi32, #tpu.memory_space<vmem>>, vector<16xi32>,
        %dma_start3A = arith.constant 0 : i32
        %dma_start3A_141 = arith.constant 0 : i32
        %dma_start3A_142 = tpu.memref_slice %arg3[%dma_start3A, %dma_start3A_141] : memref<16384x2048xf32, #tpu.memory_space<hbm>> -> memref<16384x2048xf32, #tpu.memory_space<hbm>>
        tpu.enqueue_indirect_dma source(%dma_start3A_142 : memref<16384x2048xf32, #tpu.memory_space<hbm>>) target(%arg10 : memref<16x2048xf32, #tpu.memory_space<vmem>>) offsets(%arg8 : memref<16xi32, #tpu.memory_space<vmem>>) semaphore(%arg12 : memref<!tpu.dma_semaphore, #tpu.memory_space<semaphore_mem>>)
      } else {
      }
      %add3A_99 = arith.constant 0 : i32
      %add3A_100 = arith.addi %add3A_84, %add3A_99 : i32
      %mul3A_101 = arith.constant 16 : i32
      %mul3A_102 = arith.muli %add3A_100, %mul3A_101 : i32
      %lt3A_103 = arith.cmpi slt, %mul3A_102, %scan3A_42#0 : i32
      %convert_element_type3A_104 = arith.extui %lt3A_103 : i1 to i32
      %cond3A_105 = arith.constant 0 : i32
      %cond3A_106 = arith.cmpi ne, %convert_element_type3A_104, %cond3A_105 : i32
      scf.if %cond3A_106 {
        %add3A_131 = arith.constant 0 : i32
        %add3A_132 = arith.addi %add3A_84, %add3A_131 : i32
        %dma_wait3A = arith.constant 0 : i32
        %dma_wait3A_133 = arith.constant 0 : i32
        %dma_wait3A_134 = tpu.memref_slice %arg3[%dma_wait3A, %dma_wait3A_133] : memref<16384x2048xf32, #tpu.memory_space<hbm>> -> memref<16384x2048xf32, #tpu.memory_space<hbm>>
        tpu.wait_indirect_dma semaphore(%arg11 : memref<!tpu.dma_semaphore, #tpu.memory_space<semaphore_mem>>) src(%dma_wait3A_134 : memref<16384x2048xf32, #tpu.memory_space<hbm>>) dst(%arg9 : memref<16x2048xf32, #tpu.memory_space<vmem>>)
        %add3A_135 = arith.addi %select_n3A_74, %add3A_132 : i32
        %mul3A_136 = arith.constant 16 : i32
        %mul3A_137 = arith.muli %add3A_135, %mul3A_136 : i32
        %dma_start3A = arith.constant 0 : i32
        %dma_start3A_138 = tpu.memref_slice %arg4[%mul3A_137, %dma_start3A] : memref<16384x2048xf32, #tpu.memory_space<hbm>> -> memref<16x2048xf32, #tpu.memory_space<hbm>>
        %dma_start3A_139 = arith.constant 0 : i32
        %dma_start3A_140 = tpu.memref_slice %arg4[%mul3A_137, %dma_start3A_139] : memref<16384x2048xf32, #tpu.memory_space<hbm>> -> memref<16x2048xf32, #tpu.memory_space<hbm>>
        tpu.enqueue_dma source(%arg9 : memref<16x2048xf32, #tpu.memory_space<vmem>>) target(%dma_start3A_140 : memref<16x2048xf32, #tpu.memory_space<hbm>>) target_semaphore(%arg13 : memref<!tpu.dma_semaphore, #tpu.memory_space<semaphore_mem>>)
      } else {
      }
      %add3A_107 = arith.constant 1 : i32
      %add3A_108 = arith.addi %add3A_84, %add3A_107 : i32
      %mul3A_109 = arith.constant 16 : i32
      %mul3A_110 = arith.muli %add3A_108, %mul3A_109 : i32
      %lt3A_111 = arith.cmpi slt, %mul3A_110, %scan3A_42#0 : i32
      %convert_element_type3A_112 = arith.extui %lt3A_111 : i1 to i32
      %cond3A_113 = arith.constant 0 : i32
      %cond3A_114 = arith.cmpi ne, %convert_element_type3A_112, %cond3A_113 : i32
      scf.if %cond3A_114 {
        %add3A_131 = arith.constant 1 : i32
        %add3A_132 = arith.addi %add3A_84, %add3A_131 : i32
        %dma_wait3A = arith.constant 0 : i32
        %dma_wait3A_133 = arith.constant 0 : i32
        %dma_wait3A_134 = tpu.memref_slice %arg3[%dma_wait3A, %dma_wait3A_133] : memref<16384x2048xf32, #tpu.memory_space<hbm>> -> memref<16384x2048xf32, #tpu.memory_space<hbm>>
        tpu.wait_indirect_dma semaphore(%arg12 : memref<!tpu.dma_semaphore, #tpu.memory_space<semaphore_mem>>) src(%dma_wait3A_134 : memref<16384x2048xf32, #tpu.memory_space<hbm>>) dst(%arg10 : memref<16x2048xf32, #tpu.memory_space<vmem>>)
        %add3A_135 = arith.addi %select_n3A_74, %add3A_132 : i32
        %mul3A_136 = arith.constant 16 : i32
        %mul3A_137 = arith.muli %add3A_135, %mul3A_136 : i32
        %dma_start3A = arith.constant 0 : i32
        %dma_start3A_138 = tpu.memref_slice %arg4[%mul3A_137, %dma_start3A] : memref<16384x2048xf32, #tpu.memory_space<hbm>> -> memref<16x2048xf32, #tpu.memory_space<hbm>>
        %dma_start3A_139 = arith.constant 0 : i32
        %dma_start3A_140 = tpu.memref_slice %arg4[%mul3A_137, %dma_start3A_139] : memref<16384x2048xf32, #tpu.memory_space<hbm>> -> memref<16x2048xf32, #tpu.memory_space<hbm>>
        tpu.enqueue_dma source(%arg10 : memref<16x2048xf32, #tpu.memory_space<vmem>>) target(%dma_start3A_140 : memref<16x2048xf32, #tpu.memory_space<hbm>>) target_semaphore(%arg14 : memref<!tpu.dma_semaphore, #tpu.memory_space<semaphore_mem>>)
      } else {
      }
      %add3A_115 = arith.constant 0 : i32
      %add3A_116 = arith.addi %add3A_84, %add3A_115 : i32
      %mul3A_117 = arith.constant 16 : i32
      %mul3A_118 = arith.muli %add3A_116, %mul3A_117 : i32
      %lt3A_119 = arith.cmpi slt, %mul3A_118, %scan3A_42#0 : i32
      %convert_element_type3A_120 = arith.extui %lt3A_119 : i1 to i32
      %cond3A_121 = arith.constant 0 : i32
      %cond3A_122 = arith.cmpi ne, %convert_element_type3A_120, %cond3A_121 : i32
      scf.if %cond3A_122 {
        %add3A_131 = arith.constant 0 : i32
        %add3A_132 = arith.addi %add3A_84, %add3A_131 : i32
        %add3A_133 = arith.addi %select_n3A_74, %add3A_132 : i32
        %mul3A_134 = arith.constant 16 : i32
        %mul3A_135 = arith.muli %add3A_133, %mul3A_134 : i32
        %dma_wait3A = arith.constant 0 : i32
        %dma_wait3A_136 = tpu.memref_slice %arg4[%mul3A_135, %dma_wait3A] : memref<16384x2048xf32, #tpu.memory_space<hbm>> -> memref<16x2048xf32, #tpu.memory_space<hbm>>
        %dma_wait3A_137 = arith.constant 0 : i32
        %dma_wait3A_138 = tpu.memref_slice %arg4[%mul3A_135, %dma_wait3A_137] : memref<16384x2048xf32, #tpu.memory_space<hbm>> -> memref<16x2048xf32, #tpu.memory_space<hbm>>
        tpu.wait_dma2 semaphore(%arg13 : memref<!tpu.dma_semaphore, #tpu.memory_space<semaphore_mem>>) src(%arg9 : memref<16x2048xf32, #tpu.memory_space<vmem>>) dst(%dma_wait3A_138 : memref<16x2048xf32, #tpu.memory_space<hbm>>)
      } else {
      }
      %add3A_123 = arith.constant 1 : i32
      %add3A_124 = arith.addi %add3A_84, %add3A_123 : i32
      %mul3A_125 = arith.constant 16 : i32
      %mul3A_126 = arith.muli %add3A_124, %mul3A_125 : i32
      %lt3A_127 = arith.cmpi slt, %mul3A_126, %scan3A_42#0 : i32
      %convert_element_type3A_128 = arith.extui %lt3A_127 : i1 to i32
      %cond3A_129 = arith.constant 0 : i32
      %cond3A_130 = arith.cmpi ne, %convert_element_type3A_128, %cond3A_129 : i32
      scf.if %cond3A_130 {
        %add3A_131 = arith.constant 1 : i32
        %add3A_132 = arith.addi %add3A_84, %add3A_131 : i32
        %add3A_133 = arith.addi %select_n3A_74, %add3A_132 : i32
        %mul3A_134 = arith.constant 16 : i32
        %mul3A_135 = arith.muli %add3A_133, %mul3A_134 : i32
        %dma_wait3A = arith.constant 0 : i32
        %dma_wait3A_136 = tpu.memref_slice %arg4[%mul3A_135, %dma_wait3A] : memref<16384x2048xf32, #tpu.memory_space<hbm>> -> memref<16x2048xf32, #tpu.memory_space<hbm>>
        %dma_wait3A_137 = arith.constant 0 : i32
        %dma_wait3A_138 = tpu.memref_slice %arg4[%mul3A_135, %dma_wait3A_137] : memref<16384x2048xf32, #tpu.memory_space<hbm>> -> memref<16x2048xf32, #tpu.memory_space<hbm>>
        tpu.wait_dma2 semaphore(%arg14 : memref<!tpu.dma_semaphore, #tpu.memory_space<semaphore_mem>>) src(%arg10 : memref<16x2048xf32, #tpu.memory_space<vmem>>) dst(%dma_wait3A_138 : memref<16x2048xf32, #tpu.memory_space<hbm>>)
      } else {
      }
    }
    %scan3A_79 = arith.constant 16 : i32
    return
  }
}

module attributes {stable_mosaic.version = 14 : i64} {
  func.func @_route_body(%arg0: memref<128x128xi32, #tpu.memory_space<vmem>>, %arg1: memref<128x128xi32, #tpu.memory_space<vmem>>, %arg2: memref<1xi32, #tpu.memory_space<smem>>, %arg3: memref<32x1xi32, #tpu.memory_space<vmem>>) attributes {dimension_semantics = [], scalar_prefetch = 0 : i64, scratch_operands = 0 : i64, tpu.core_type = #tpu.core_type<tc>} {
    %get3A = arith.constant 0 : index
    %get3A_0 = arith.constant 0 : index
    %get3A_1 = vector.load %arg0[%get3A, %get3A_0] : memref<128x128xi32, #tpu.memory_space<vmem>>, vector<128x128xi32>
    %eq3A = arith.constant 0 : i32
    %eq3A_2 = vector.broadcast %eq3A : i32 to vector<128x128xi32>
    %eq3A_3 = arith.cmpi eq, %get3A_1, %eq3A_2 : vector<128x128xi32>
    %convert_element_type3A = arith.extui %eq3A_3 : vector<128x128xi1> to vector<128x128xi32>
    %convert_element_type3A_4 = arith.sitofp %convert_element_type3A : vector<128x128xi32> to vector<128x128xf32>
    %iota3A = tpu.iota {dimensions = array<i32: 0>} : vector<128x128xi32>
    %iota3A_5 = tpu.iota {dimensions = array<i32: 1>} : vector<128x128xi32>
    %lt3A = arith.cmpi slt, %iota3A, %iota3A_5 : vector<128x128xi32>
    %convert_element_type3A_6 = arith.extui %lt3A : vector<128x128xi1> to vector<128x128xi32>
    %convert_element_type3A_7 = arith.sitofp %convert_element_type3A_6 : vector<128x128xi32> to vector<128x128xf32>
    %lt3A_8 = arith.cmpi slt, %iota3A_5, %iota3A : vector<128x128xi32>
    %convert_element_type3A_9 = arith.extui %lt3A_8 : vector<128x128xi1> to vector<128x128xi32>
    %convert_element_type3A_10 = arith.sitofp %convert_element_type3A_9 : vector<128x128xi32> to vector<128x128xf32>
    %dot_general3A = arith.constant dense<0.000000e+00> : vector<128x128xf32>
    %dot_general3A_11 = tpu.matmul %convert_element_type3A_4, %convert_element_type3A_7, %dot_general3A {dimension_numbers = #tpu.dot_dimension_numbers<[1], [0], [0], [1], [0, 0, 1, 1], [], []>, transpose_lhs_hint = false} : vector<128x128xf32>, vector<128x128xf32>, vector<128x128xf32> -> vector<128x128xf32>
    %slice3A = vector.extract_strided_slice %dot_general3A_11 {offsets = [0, 127], sizes = [128, 1], strides = [1, 1]} : vector<128x128xf32> to vector<128x1xf32>
    %slice3A_12 = vector.extract_strided_slice %convert_element_type3A_4 {offsets = [0, 127], sizes = [128, 1], strides = [1, 1]} : vector<128x128xf32> to vector<128x1xf32>
    %add3A = arith.addf %slice3A, %slice3A_12 : vector<128x1xf32>
    %dot_general3A_13 = arith.constant dense<0.000000e+00> : vector<128x1xf32>
    %dot_general3A_14 = tpu.matmul %convert_element_type3A_10, %add3A, %dot_general3A_13 {dimension_numbers = #tpu.dot_dimension_numbers<[1], [0], [0], [1], [0, 0, 1, 1], [], []>, transpose_lhs_hint = false} : vector<128x128xf32>, vector<128x1xf32>, vector<128x1xf32> -> vector<128x1xf32>
    %iota3A_15 = tpu.iota {dimensions = array<i32: 0>} : vector<32x128xi32>
    %iota3A_16 = tpu.iota {dimensions = array<i32: 1>} : vector<32x128xi32>
    %jit3A = arith.constant 4 : i32
    %div3A = vector.broadcast %jit3A : i32 to vector<32x128xi32>
    %div3A_17 = arith.divsi %iota3A_16, %div3A : vector<32x128xi32>
    %sign3A = arith.constant 0 : i32
    %sign3A_18 = vector.broadcast %sign3A : i32 to vector<32x128xi32>
    %sign3A_19 = arith.cmpi sgt, %iota3A_16, %sign3A_18 : vector<32x128xi32>
    %sign3A_20 = arith.extui %sign3A_19 : vector<32x128xi1> to vector<32x128xi32>
    %sign3A_21 = arith.constant 0 : i32
    %sign3A_22 = vector.broadcast %sign3A_21 : i32 to vector<32x128xi32>
    %sign3A_23 = arith.cmpi slt, %iota3A_16, %sign3A_22 : vector<32x128xi32>
    %sign3A_24 = arith.extui %sign3A_23 : vector<32x128xi1> to vector<32x128xi32>
    %sign3A_25 = arith.subi %sign3A_20, %sign3A_24 : vector<32x128xi32>
    %sign3A_26 = arith.constant 0 : i32
    %sign3A_27 = arith.cmpi sgt, %jit3A, %sign3A_26 : i32
    %sign3A_28 = arith.extui %sign3A_27 : i1 to i32
    %sign3A_29 = arith.constant 0 : i32
    %sign3A_30 = arith.cmpi slt, %jit3A, %sign3A_29 : i32
    %sign3A_31 = arith.extui %sign3A_30 : i1 to i32
    %sign3A_32 = arith.subi %sign3A_28, %sign3A_31 : i32
    %ne3A = vector.broadcast %sign3A_32 : i32 to vector<32x128xi32>
    %ne3A_33 = arith.cmpi ne, %sign3A_25, %ne3A : vector<32x128xi32>
    %rem3A = vector.broadcast %jit3A : i32 to vector<32x128xi32>
    %rem3A_34 = arith.remsi %iota3A_16, %rem3A : vector<32x128xi32>
    %ne3A_35 = arith.constant 0 : i32
    %ne3A_36 = vector.broadcast %ne3A_35 : i32 to vector<32x128xi32>
    %ne3A_37 = arith.cmpi ne, %rem3A_34, %ne3A_36 : vector<32x128xi32>
    %and3A = arith.andi %ne3A_33, %ne3A_37 : vector<32x128xi1>
    %sub3A = arith.constant 1 : i32
    %sub3A_38 = vector.broadcast %sub3A : i32 to vector<32x128xi32>
    %sub3A_39 = arith.subi %div3A_17, %sub3A_38 : vector<32x128xi32>
    %select_n3A = arith.select %and3A, %sub3A_39, %div3A_17 : vector<32x128xi1>, vector<32x128xi32>
    %eq3A_40 = arith.cmpi eq, %select_n3A, %iota3A_15 : vector<32x128xi32>
    %convert_element_type3A_41 = arith.extui %eq3A_40 : vector<32x128xi1> to vector<32x128xi32>
    %convert_element_type3A_42 = arith.sitofp %convert_element_type3A_41 : vector<32x128xi32> to vector<32x128xf32>
    %dot_general3A_43 = arith.constant dense<0.000000e+00> : vector<32x1xf32>
    %dot_general3A_44 = tpu.matmul %convert_element_type3A_42, %add3A, %dot_general3A_43 {dimension_numbers = #tpu.dot_dimension_numbers<[1], [0], [0], [1], [0, 0, 1, 1], [], []>, transpose_lhs_hint = false} : vector<32x128xf32>, vector<128x1xf32>, vector<32x1xf32> -> vector<32x1xf32>
    %add3A_45 = arith.constant 5.000000e-01 : f32
    %add3A_46 = vector.broadcast %add3A_45 : f32 to vector<32x1xf32>
    %add3A_47 = arith.addf %dot_general3A_44, %add3A_46 : vector<32x1xf32>
    %convert_element_type3A_48 = arith.fptosi %add3A_47 : vector<32x1xf32> to vector<32x1xi32>
    %add3A_49 = arith.constant 15 : i32
    %add3A_50 = vector.broadcast %add3A_49 : i32 to vector<32x1xi32>
    %add3A_51 = arith.addi %convert_element_type3A_48, %add3A_50 : vector<32x1xi32>
    %jit3A_52 = arith.constant 16 : i32
    %div3A_53 = vector.broadcast %jit3A_52 : i32 to vector<32x1xi32>
    %div3A_54 = arith.divsi %add3A_51, %div3A_53 : vector<32x1xi32>
    %sign3A_55 = arith.constant 0 : i32
    %sign3A_56 = vector.broadcast %sign3A_55 : i32 to vector<32x1xi32>
    %sign3A_57 = arith.cmpi sgt, %add3A_51, %sign3A_56 : vector<32x1xi32>
    %sign3A_58 = arith.extui %sign3A_57 : vector<32x1xi1> to vector<32x1xi32>
    %sign3A_59 = arith.constant 0 : i32
    %sign3A_60 = vector.broadcast %sign3A_59 : i32 to vector<32x1xi32>
    %sign3A_61 = arith.cmpi slt, %add3A_51, %sign3A_60 : vector<32x1xi32>
    %sign3A_62 = arith.extui %sign3A_61 : vector<32x1xi1> to vector<32x1xi32>
    %sign3A_63 = arith.subi %sign3A_58, %sign3A_62 : vector<32x1xi32>
    %sign3A_64 = arith.constant 0 : i32
    %sign3A_65 = arith.cmpi sgt, %jit3A_52, %sign3A_64 : i32
    %sign3A_66 = arith.extui %sign3A_65 : i1 to i32
    %sign3A_67 = arith.constant 0 : i32
    %sign3A_68 = arith.cmpi slt, %jit3A_52, %sign3A_67 : i32
    %sign3A_69 = arith.extui %sign3A_68 : i1 to i32
    %sign3A_70 = arith.subi %sign3A_66, %sign3A_69 : i32
    %ne3A_71 = vector.broadcast %sign3A_70 : i32 to vector<32x1xi32>
    %ne3A_72 = arith.cmpi ne, %sign3A_63, %ne3A_71 : vector<32x1xi32>
    %rem3A_73 = vector.broadcast %jit3A_52 : i32 to vector<32x1xi32>
    %rem3A_74 = arith.remsi %add3A_51, %rem3A_73 : vector<32x1xi32>
    %ne3A_75 = arith.constant 0 : i32
    %ne3A_76 = vector.broadcast %ne3A_75 : i32 to vector<32x1xi32>
    %ne3A_77 = arith.cmpi ne, %rem3A_74, %ne3A_76 : vector<32x1xi32>
    %and3A_78 = arith.andi %ne3A_72, %ne3A_77 : vector<32x1xi1>
    %sub3A_79 = arith.constant 1 : i32
    %sub3A_80 = vector.broadcast %sub3A_79 : i32 to vector<32x1xi32>
    %sub3A_81 = arith.subi %div3A_54, %sub3A_80 : vector<32x1xi32>
    %select_n3A_82 = arith.select %and3A_78, %sub3A_81, %div3A_54 : vector<32x1xi1>, vector<32x1xi32>
    %convert_element_type3A_83 = arith.sitofp %select_n3A_82 : vector<32x1xi32> to vector<32x1xf32>
    %reduce_sum3A = vector.shape_cast %convert_element_type3A_83 : vector<32x1xf32> to vector<1x32x1xf32>
    %reduce_sum3A_84 = arith.constant dense<0.000000e+00> : vector<1xf32>
    %reduce_sum3A_85 = vector.multi_reduction <add>, %reduce_sum3A, %reduce_sum3A_84 [1, 2] : vector<1x32x1xf32> to vector<1xf32>
    %reduce_sum3A_86 = vector.shape_cast %reduce_sum3A_85 : vector<1xf32> to vector<1x1x1xf32>
    %reduce_sum3A_87 = vector.extract %reduce_sum3A_86[0, 0, 0] : f32 from vector<1x1x1xf32>
    %convert_element_type3A_88 = arith.fptosi %reduce_sum3A_87 : f32 to i32
    %mul3A = arith.constant 16 : i32
    %mul3A_89 = arith.muli %mul3A, %convert_element_type3A_88 : i32
    %iota3A_90 = tpu.iota {dimensions = array<i32: 0>} : vector<128x32xi32>
    %iota3A_91 = tpu.iota {dimensions = array<i32: 1>} : vector<128x32xi32>
    %jit3A_92 = arith.constant 4 : i32
    %div3A_93 = vector.broadcast %jit3A_92 : i32 to vector<128x32xi32>
    %div3A_94 = arith.divsi %iota3A_90, %div3A_93 : vector<128x32xi32>
    %sign3A_95 = arith.constant 0 : i32
    %sign3A_96 = vector.broadcast %sign3A_95 : i32 to vector<128x32xi32>
    %sign3A_97 = arith.cmpi sgt, %iota3A_90, %sign3A_96 : vector<128x32xi32>
    %sign3A_98 = arith.extui %sign3A_97 : vector<128x32xi1> to vector<128x32xi32>
    %sign3A_99 = arith.constant 0 : i32
    %sign3A_100 = vector.broadcast %sign3A_99 : i32 to vector<128x32xi32>
    %sign3A_101 = arith.cmpi slt, %iota3A_90, %sign3A_100 : vector<128x32xi32>
    %sign3A_102 = arith.extui %sign3A_101 : vector<128x32xi1> to vector<128x32xi32>
    %sign3A_103 = arith.subi %sign3A_98, %sign3A_102 : vector<128x32xi32>
    %sign3A_104 = arith.constant 0 : i32
    %sign3A_105 = arith.cmpi sgt, %jit3A_92, %sign3A_104 : i32
    %sign3A_106 = arith.extui %sign3A_105 : i1 to i32
    %sign3A_107 = arith.constant 0 : i32
    %sign3A_108 = arith.cmpi slt, %jit3A_92, %sign3A_107 : i32
    %sign3A_109 = arith.extui %sign3A_108 : i1 to i32
    %sign3A_110 = arith.subi %sign3A_106, %sign3A_109 : i32
    %ne3A_111 = vector.broadcast %sign3A_110 : i32 to vector<128x32xi32>
    %ne3A_112 = arith.cmpi ne, %sign3A_103, %ne3A_111 : vector<128x32xi32>
    %rem3A_113 = vector.broadcast %jit3A_92 : i32 to vector<128x32xi32>
    %rem3A_114 = arith.remsi %iota3A_90, %rem3A_113 : vector<128x32xi32>
    %ne3A_115 = arith.constant 0 : i32
    %ne3A_116 = vector.broadcast %ne3A_115 : i32 to vector<128x32xi32>
    %ne3A_117 = arith.cmpi ne, %rem3A_114, %ne3A_116 : vector<128x32xi32>
    %and3A_118 = arith.andi %ne3A_112, %ne3A_117 : vector<128x32xi1>
    %sub3A_119 = arith.constant 1 : i32
    %sub3A_120 = vector.broadcast %sub3A_119 : i32 to vector<128x32xi32>
    %sub3A_121 = arith.subi %div3A_94, %sub3A_120 : vector<128x32xi32>
    %select_n3A_122 = arith.select %and3A_118, %sub3A_121, %div3A_94 : vector<128x32xi1>, vector<128x32xi32>
    %lt3A_123 = arith.cmpi slt, %iota3A_91, %select_n3A_122 : vector<128x32xi32>
    %convert_element_type3A_124 = arith.extui %lt3A_123 : vector<128x32xi1> to vector<128x32xi32>
    %convert_element_type3A_125 = arith.sitofp %convert_element_type3A_124 : vector<128x32xi32> to vector<128x32xf32>
    %dot_general3A_126 = arith.constant dense<0.000000e+00> : vector<128x1xf32>
    %dot_general3A_127 = tpu.matmul %convert_element_type3A_125, %convert_element_type3A_83, %dot_general3A_126 {dimension_numbers = #tpu.dot_dimension_numbers<[1], [0], [0], [1], [0, 0, 1, 1], [], []>, transpose_lhs_hint = false} : vector<128x32xf32>, vector<32x1xf32>, vector<128x1xf32> -> vector<128x1xf32>
    %mul3A_128 = arith.constant 1.600000e+01 : f32
    %mul3A_129 = vector.broadcast %mul3A_128 : f32 to vector<128x1xf32>
    %mul3A_130 = arith.mulf %mul3A_129, %dot_general3A_127 : vector<128x1xf32>
    %jit3A_131 = arith.constant 4 : i32
    %div3A_132 = vector.broadcast %jit3A_131 : i32 to vector<128x128xi32>
    %div3A_133 = arith.divsi %iota3A, %div3A_132 : vector<128x128xi32>
    %sign3A_134 = arith.constant 0 : i32
    %sign3A_135 = vector.broadcast %sign3A_134 : i32 to vector<128x128xi32>
    %sign3A_136 = arith.cmpi sgt, %iota3A, %sign3A_135 : vector<128x128xi32>
    %sign3A_137 = arith.extui %sign3A_136 : vector<128x128xi1> to vector<128x128xi32>
    %sign3A_138 = arith.constant 0 : i32
    %sign3A_139 = vector.broadcast %sign3A_138 : i32 to vector<128x128xi32>
    %sign3A_140 = arith.cmpi slt, %iota3A, %sign3A_139 : vector<128x128xi32>
    %sign3A_141 = arith.extui %sign3A_140 : vector<128x128xi1> to vector<128x128xi32>
    %sign3A_142 = arith.subi %sign3A_137, %sign3A_141 : vector<128x128xi32>
    %sign3A_143 = arith.constant 0 : i32
    %sign3A_144 = arith.cmpi sgt, %jit3A_131, %sign3A_143 : i32
    %sign3A_145 = arith.extui %sign3A_144 : i1 to i32
    %sign3A_146 = arith.constant 0 : i32
    %sign3A_147 = arith.cmpi slt, %jit3A_131, %sign3A_146 : i32
    %sign3A_148 = arith.extui %sign3A_147 : i1 to i32
    %sign3A_149 = arith.subi %sign3A_145, %sign3A_148 : i32
    %ne3A_150 = vector.broadcast %sign3A_149 : i32 to vector<128x128xi32>
    %ne3A_151 = arith.cmpi ne, %sign3A_142, %ne3A_150 : vector<128x128xi32>
    %rem3A_152 = vector.broadcast %jit3A_131 : i32 to vector<128x128xi32>
    %rem3A_153 = arith.remsi %iota3A, %rem3A_152 : vector<128x128xi32>
    %ne3A_154 = arith.constant 0 : i32
    %ne3A_155 = vector.broadcast %ne3A_154 : i32 to vector<128x128xi32>
    %ne3A_156 = arith.cmpi ne, %rem3A_153, %ne3A_155 : vector<128x128xi32>
    %and3A_157 = arith.andi %ne3A_151, %ne3A_156 : vector<128x128xi1>
    %sub3A_158 = arith.constant 1 : i32
    %sub3A_159 = vector.broadcast %sub3A_158 : i32 to vector<128x128xi32>
    %sub3A_160 = arith.subi %div3A_133, %sub3A_159 : vector<128x128xi32>
    %select_n3A_161 = arith.select %and3A_157, %sub3A_160, %div3A_133 : vector<128x128xi1>, vector<128x128xi32>
    %mul3A_162 = arith.constant 4 : i32
    %mul3A_163 = vector.broadcast %mul3A_162 : i32 to vector<128x128xi32>
    %mul3A_164 = arith.muli %select_n3A_161, %mul3A_163 : vector<128x128xi32>
    %lt3A_165 = arith.cmpi slt, %iota3A_5, %mul3A_164 : vector<128x128xi32>
    %convert_element_type3A_166 = arith.extui %lt3A_165 : vector<128x128xi1> to vector<128x128xi32>
    %convert_element_type3A_167 = arith.sitofp %convert_element_type3A_166 : vector<128x128xi32> to vector<128x128xf32>
    %dot_general3A_168 = arith.constant dense<0.000000e+00> : vector<128x1xf32>
    %dot_general3A_169 = tpu.matmul %convert_element_type3A_167, %add3A, %dot_general3A_168 {dimension_numbers = #tpu.dot_dimension_numbers<[1], [0], [0], [1], [0, 0, 1, 1], [], []>, transpose_lhs_hint = false} : vector<128x128xf32>, vector<128x1xf32>, vector<128x1xf32> -> vector<128x1xf32>
    %sub3A_170 = arith.subf %mul3A_130, %dot_general3A_169 : vector<128x1xf32>
    %add3A_171 = arith.constant 5.000000e-01 : f32
    %add3A_172 = vector.broadcast %add3A_171 : f32 to vector<128x1xf32>
    %add3A_173 = arith.addf %sub3A_170, %add3A_172 : vector<128x1xf32>
    %convert_element_type3A_174 = arith.fptosi %add3A_173 : vector<128x1xf32> to vector<128x1xi32>
    %add3A_175 = vector.broadcast %dot_general3A_14 : vector<128x1xf32> to vector<128x128xf32>
    %add3A_176 = arith.addf %dot_general3A_11, %add3A_175 : vector<128x128xf32>
    %add3A_177 = arith.constant 5.000000e-01 : f32
    %add3A_178 = vector.broadcast %add3A_177 : f32 to vector<128x128xf32>
    %add3A_179 = arith.addf %add3A_176, %add3A_178 : vector<128x128xf32>
    %convert_element_type3A_180 = arith.fptosi %add3A_179 : vector<128x128xf32> to vector<128x128xi32>
    %add3A_181 = vector.broadcast %convert_element_type3A_174 : vector<128x1xi32> to vector<128x128xi32>
    %add3A_182 = arith.addi %convert_element_type3A_180, %add3A_181 : vector<128x128xi32>
    %eq3A_183 = arith.constant 0 : i32
    %eq3A_184 = vector.broadcast %eq3A_183 : i32 to vector<128x128xi32>
    %eq3A_185 = arith.cmpi eq, %get3A_1, %eq3A_184 : vector<128x128xi32>
    %jit3A_186 = arith.constant 16384 : i32
    %broadcast_in_dim3A = vector.broadcast %jit3A_186 : i32 to vector<128x128xi32>
    %select_n3A_187 = arith.select %eq3A_185, %add3A_182, %broadcast_in_dim3A : vector<128x128xi1>, vector<128x128xi32>
    %swap3A = arith.constant 0 : index
    %swap3A_188 = arith.constant 0 : index
    %swap3A_189 = vector.load %arg1[%swap3A, %swap3A_188] : memref<128x128xi32, #tpu.memory_space<vmem>>, vector<128x128xi32>
    tpu.vector_store %arg1[%swap3A, %swap3A_188], %select_n3A_187 {strides = array<i32>} : memref<128x128xi32, #tpu.memory_space<vmem>>, vector<128x128xi32>,
    %swap3A_190 = arith.constant 0 : index
    %swap3A_191 = memref.load %arg2[%swap3A_190] : memref<1xi32, #tpu.memory_space<smem>>
    memref.store %mul3A_89, %arg2[%swap3A_190] : memref<1xi32, #tpu.memory_space<smem>>
    %iota3A_192 = tpu.iota {dimensions = array<i32: 0>} : vector<32x32xi32>
    %iota3A_193 = tpu.iota {dimensions = array<i32: 1>} : vector<32x32xi32>
    %lt3A_194 = arith.cmpi slt, %iota3A_193, %iota3A_192 : vector<32x32xi32>
    %convert_element_type3A_195 = arith.extui %lt3A_194 : vector<32x32xi1> to vector<32x32xi32>
    %convert_element_type3A_196 = arith.sitofp %convert_element_type3A_195 : vector<32x32xi32> to vector<32x32xf32>
    %dot_general3A_197 = arith.constant dense<0.000000e+00> : vector<32x1xf32>
    %dot_general3A_198 = tpu.matmul %convert_element_type3A_196, %convert_element_type3A_83, %dot_general3A_197 {dimension_numbers = #tpu.dot_dimension_numbers<[1], [0], [0], [1], [0, 0, 1, 1], [], []>, transpose_lhs_hint = false} : vector<32x32xf32>, vector<32x1xf32>, vector<32x1xf32> -> vector<32x1xf32>
    %mul3A_199 = arith.constant 1.600000e+01 : f32
    %mul3A_200 = vector.broadcast %mul3A_199 : f32 to vector<32x1xf32>
    %mul3A_201 = arith.mulf %mul3A_200, %dot_general3A_198 : vector<32x1xf32>
    %add3A_202 = arith.constant 5.000000e-01 : f32
    %add3A_203 = vector.broadcast %add3A_202 : f32 to vector<32x1xf32>
    %add3A_204 = arith.addf %mul3A_201, %add3A_203 : vector<32x1xf32>
    %convert_element_type3A_205 = arith.fptosi %add3A_204 : vector<32x1xf32> to vector<32x1xi32>
    %swap3A_206 = arith.constant 0 : index
    %swap3A_207 = arith.constant 0 : index
    %swap3A_208 = vector.load %arg3[%swap3A_206, %swap3A_207] : memref<32x1xi32, #tpu.memory_space<vmem>>, vector<32x1xi32>
    tpu.vector_store %arg3[%swap3A_206, %swap3A_207], %convert_element_type3A_205 {strides = array<i32>} : memref<32x1xi32, #tpu.memory_space<vmem>>, vector<32x1xi32>,
    return
  }
}

module attributes {stable_mosaic.version = 14 : i64} {
  func.func @_mlp_body(%arg0: i32, %arg1: memref<1xi32, #tpu.memory_space<smem>>, %arg2: memref<1024x2048xf32, #tpu.memory_space<vmem>>, %arg3: memref<2048x1024xbf16, #tpu.memory_space<vmem>>, %arg4: memref<1024xf32, #tpu.memory_space<vmem>>, %arg5: memref<1024x1024xbf16, #tpu.memory_space<vmem>>, %arg6: memref<1024xf32, #tpu.memory_space<vmem>>, %arg7: memref<1024x1xf32, #tpu.memory_space<vmem>>, %arg8: memref<1xf32, #tpu.memory_space<vmem>>, %arg9: memref<1024x1xf32, #tpu.memory_space<vmem>>) attributes {dimension_semantics = [#tpu.dimension_semantics<arbitrary>], iteration_bounds = array<i64: 16>, scalar_prefetch = 1 : i64, scratch_operands = 0 : i64, tpu.core_type = #tpu.core_type<tc>, window_params = [{transform_indices = @transform_0, window_bounds = array<i64: 1024, 2048>}, {pipeline_mode = #tpu.pipeline_mode<synchronous>, transform_indices = @transform_1, window_bounds = array<i64: 2048, 1024>}, {pipeline_mode = #tpu.pipeline_mode<synchronous>, transform_indices = @transform_2, window_bounds = array<i64: 1024>}, {pipeline_mode = #tpu.pipeline_mode<synchronous>, transform_indices = @transform_3, window_bounds = array<i64: 1024, 1024>}, {pipeline_mode = #tpu.pipeline_mode<synchronous>, transform_indices = @transform_4, window_bounds = array<i64: 1024>}, {pipeline_mode = #tpu.pipeline_mode<synchronous>, transform_indices = @transform_5, window_bounds = array<i64: 1024, 1>}, {pipeline_mode = #tpu.pipeline_mode<synchronous>, transform_indices = @transform_6, window_bounds = array<i64: 1>}, {transform_indices = @transform_7, window_bounds = array<i64: 1024, 1>}]} {
    %get3A = arith.constant 0 : index
    %get3A_0 = memref.load %arg1[%get3A] : memref<1xi32, #tpu.memory_space<smem>>
    %add3A = arith.constant 1024 : i32
    %add3A_1 = arith.addi %get3A_0, %add3A : i32
    %sub3A = arith.constant 1 : i32
    %sub3A_2 = arith.subi %add3A_1, %sub3A : i32
    %jit3A = arith.constant 1024 : i32
    %div3A = arith.divsi %sub3A_2, %jit3A : i32
    %sign3A = arith.constant 0 : i32
    %sign3A_3 = arith.cmpi sgt, %sub3A_2, %sign3A : i32
    %sign3A_4 = arith.extui %sign3A_3 : i1 to i32
    %sign3A_5 = arith.constant 0 : i32
    %sign3A_6 = arith.cmpi slt, %sub3A_2, %sign3A_5 : i32
    %sign3A_7 = arith.extui %sign3A_6 : i1 to i32
    %sign3A_8 = arith.subi %sign3A_4, %sign3A_7 : i32
    %sign3A_9 = arith.constant 0 : i32
    %sign3A_10 = arith.cmpi sgt, %jit3A, %sign3A_9 : i32
    %sign3A_11 = arith.extui %sign3A_10 : i1 to i32
    %sign3A_12 = arith.constant 0 : i32
    %sign3A_13 = arith.cmpi slt, %jit3A, %sign3A_12 : i32
    %sign3A_14 = arith.extui %sign3A_13 : i1 to i32
    %sign3A_15 = arith.subi %sign3A_11, %sign3A_14 : i32
    %ne3A = arith.cmpi ne, %sign3A_8, %sign3A_15 : i32
    %rem3A = arith.remsi %sub3A_2, %jit3A : i32
    %ne3A_16 = arith.constant 0 : i32
    %ne3A_17 = arith.cmpi ne, %rem3A, %ne3A_16 : i32
    %and3A = arith.andi %ne3A, %ne3A_17 : i1
    %sub3A_18 = arith.constant 1 : i32
    %sub3A_19 = arith.subi %div3A, %sub3A_18 : i32
    %select_n3A = arith.select %and3A, %sub3A_19, %div3A : i32
    %lt3A = arith.cmpi slt, %arg0, %select_n3A : i32
    %convert_element_type3A = arith.extui %lt3A : i1 to i32
    %cond3A = arith.constant 0 : i32
    %cond3A_20 = arith.cmpi ne, %convert_element_type3A, %cond3A : i32
    scf.if %cond3A_20 {
      %get3A_21 = arith.constant 0 : index
      %get3A_22 = arith.constant 0 : index
      %get3A_23 = vector.load %arg2[%get3A_21, %get3A_22] : memref<1024x2048xf32, #tpu.memory_space<vmem>>, vector<1024x2048xf32>
      %convert_element_type3A_24 = arith.truncf %get3A_23 : vector<1024x2048xf32> to vector<1024x2048xbf16>
      %get3A_25 = arith.constant 0 : index
      %get3A_26 = arith.constant 0 : index
      %get3A_27 = vector.load %arg3[%get3A_25, %get3A_26] : memref<2048x1024xbf16, #tpu.memory_space<vmem>>, vector<2048x1024xbf16>
      %dot_general3A = arith.constant dense<0.000000e+00> : vector<1024x1024xf32>
      %dot_general3A_28 = tpu.matmul %convert_element_type3A_24, %get3A_27, %dot_general3A {dimension_numbers = #tpu.dot_dimension_numbers<[1], [0], [0], [1], [0, 0, 1, 1], [], []>, transpose_lhs_hint = false} : vector<1024x2048xbf16>, vector<2048x1024xbf16>, vector<1024x1024xf32> -> vector<1024x1024xf32>
      %get3A_29 = arith.constant 0 : index
      %get3A_30 = vector.load %arg4[%get3A_29] : memref<1024xf32, #tpu.memory_space<vmem>>, vector<1024xf32>
      %broadcast_in_dim3A = vector.shape_cast %get3A_30 : vector<1024xf32> to vector<1x1024xf32>
      %add3A_31 = vector.broadcast %broadcast_in_dim3A : vector<1x1024xf32> to vector<1024x1024xf32>
      %add3A_32 = arith.addf %dot_general3A_28, %add3A_31 : vector<1024x1024xf32>
      %max3A = arith.constant 0.000000e+00 : f32
      %max3A_33 = vector.broadcast %max3A : f32 to vector<1024x1024xf32>
      %max3A_34 = arith.maximumf %add3A_32, %max3A_33 : vector<1024x1024xf32>
      %convert_element_type3A_35 = arith.truncf %max3A_34 : vector<1024x1024xf32> to vector<1024x1024xbf16>
      %get3A_36 = arith.constant 0 : index
      %get3A_37 = arith.constant 0 : index
      %get3A_38 = vector.load %arg5[%get3A_36, %get3A_37] : memref<1024x1024xbf16, #tpu.memory_space<vmem>>, vector<1024x1024xbf16>
      %dot_general3A_39 = arith.constant dense<0.000000e+00> : vector<1024x1024xf32>
      %dot_general3A_40 = tpu.matmul %convert_element_type3A_35, %get3A_38, %dot_general3A_39 {dimension_numbers = #tpu.dot_dimension_numbers<[1], [0], [0], [1], [0, 0, 1, 1], [], []>, transpose_lhs_hint = false} : vector<1024x1024xbf16>, vector<1024x1024xbf16>, vector<1024x1024xf32> -> vector<1024x1024xf32>
      %get3A_41 = arith.constant 0 : index
      %get3A_42 = vector.load %arg6[%get3A_41] : memref<1024xf32, #tpu.memory_space<vmem>>, vector<1024xf32>
      %broadcast_in_dim3A_43 = vector.shape_cast %get3A_42 : vector<1024xf32> to vector<1x1024xf32>
      %add3A_44 = vector.broadcast %broadcast_in_dim3A_43 : vector<1x1024xf32> to vector<1024x1024xf32>
      %add3A_45 = arith.addf %dot_general3A_40, %add3A_44 : vector<1024x1024xf32>
      %max3A_46 = arith.constant 0.000000e+00 : f32
      %max3A_47 = vector.broadcast %max3A_46 : f32 to vector<1024x1024xf32>
      %max3A_48 = arith.maximumf %add3A_45, %max3A_47 : vector<1024x1024xf32>
      %get3A_49 = arith.constant 0 : index
      %get3A_50 = arith.constant 0 : index
      %get3A_51 = vector.load %arg7[%get3A_49, %get3A_50] : memref<1024x1xf32, #tpu.memory_space<vmem>>, vector<1024x1xf32>
      %dot_general3A_52 = arith.constant dense<0.000000e+00> : vector<1024x1xf32>
      %dot_general3A_53 = tpu.matmul %max3A_48, %get3A_51, %dot_general3A_52 {dimension_numbers = #tpu.dot_dimension_numbers<[1], [0], [0], [1], [0, 0, 1, 1], [], []>, transpose_lhs_hint = false} : vector<1024x1024xf32>, vector<1024x1xf32>, vector<1024x1xf32> -> vector<1024x1xf32>
      %get3A_54 = arith.constant 0 : index
      %get3A_55 = vector.load %arg8[%get3A_54] : memref<1xf32, #tpu.memory_space<vmem>>, vector<1xf32>
      %broadcast_in_dim3A_56 = vector.shape_cast %get3A_55 : vector<1xf32> to vector<1x1xf32>
      %add3A_57 = vector.broadcast %broadcast_in_dim3A_56 : vector<1x1xf32> to vector<1024x1xf32>
      %add3A_58 = arith.addf %dot_general3A_53, %add3A_57 : vector<1024x1xf32>
      %swap3A = arith.constant 0 : index
      %swap3A_59 = arith.constant 0 : index
      %swap3A_60 = vector.load %arg9[%swap3A, %swap3A_59] : memref<1024x1xf32, #tpu.memory_space<vmem>>, vector<1024x1xf32>
      tpu.vector_store %arg9[%swap3A, %swap3A_59], %add3A_58 {strides = array<i32>} : memref<1024x1xf32, #tpu.memory_space<vmem>>, vector<1024x1xf32>,
    } else {
    }
    return
  }
  func.func @transform_0(%arg0: i32, %arg1: memref<1xi32, #tpu.memory_space<smem>>) -> (i32, i32) {
    %get3A = arith.constant 0 : index
    %get3A_0 = memref.load %arg1[%get3A] : memref<1xi32, #tpu.memory_space<smem>>
    %add3A = arith.constant 1024 : i32
    %add3A_1 = arith.addi %get3A_0, %add3A : i32
    %sub3A = arith.constant 1 : i32
    %sub3A_2 = arith.subi %add3A_1, %sub3A : i32
    %jit3A = arith.constant 1024 : i32
    %div3A = arith.divsi %sub3A_2, %jit3A : i32
    %sign3A = arith.constant 0 : i32
    %sign3A_3 = arith.cmpi sgt, %sub3A_2, %sign3A : i32
    %sign3A_4 = arith.extui %sign3A_3 : i1 to i32
    %sign3A_5 = arith.constant 0 : i32
    %sign3A_6 = arith.cmpi slt, %sub3A_2, %sign3A_5 : i32
    %sign3A_7 = arith.extui %sign3A_6 : i1 to i32
    %sign3A_8 = arith.subi %sign3A_4, %sign3A_7 : i32
    %sign3A_9 = arith.constant 0 : i32
    %sign3A_10 = arith.cmpi sgt, %jit3A, %sign3A_9 : i32
    %sign3A_11 = arith.extui %sign3A_10 : i1 to i32
    %sign3A_12 = arith.constant 0 : i32
    %sign3A_13 = arith.cmpi slt, %jit3A, %sign3A_12 : i32
    %sign3A_14 = arith.extui %sign3A_13 : i1 to i32
    %sign3A_15 = arith.subi %sign3A_11, %sign3A_14 : i32
    %ne3A = arith.cmpi ne, %sign3A_8, %sign3A_15 : i32
    %rem3A = arith.remsi %sub3A_2, %jit3A : i32
    %ne3A_16 = arith.constant 0 : i32
    %ne3A_17 = arith.cmpi ne, %rem3A, %ne3A_16 : i32
    %and3A = arith.andi %ne3A, %ne3A_17 : i1
    %sub3A_18 = arith.constant 1 : i32
    %sub3A_19 = arith.subi %div3A, %sub3A_18 : i32
    %select_n3A = arith.select %and3A, %sub3A_19, %div3A : i32
    %sub3A_20 = arith.constant 1 : i32
    %sub3A_21 = arith.subi %select_n3A, %sub3A_20 : i32
    %max3A = arith.constant 0 : i32
    %max3A_22 = arith.maxsi %sub3A_21, %max3A : i32
    %min3A = arith.minsi %arg0, %max3A_22 : i32
    %c0_i32 = arith.constant 0 : i32
    %c0_i32_23 = arith.constant 0 : i32
    return %min3A, %c0_i32 : i32, i32
  }
  func.func @transform_1(%arg0: i32, %arg1: memref<1xi32, #tpu.memory_space<smem>>) -> (i32, i32) {
    %c0_i32 = arith.constant 0 : i32
    %c0_i32_0 = arith.constant 0 : i32
    %c0_i32_1 = arith.constant 0 : i32
    return %c0_i32, %c0_i32_0 : i32, i32
  }
  func.func @transform_2(%arg0: i32, %arg1: memref<1xi32, #tpu.memory_space<smem>>) -> i32 {
    %c0_i32 = arith.constant 0 : i32
    %c0_i32_0 = arith.constant 0 : i32
    return %c0_i32 : i32
  }
  func.func @transform_3(%arg0: i32, %arg1: memref<1xi32, #tpu.memory_space<smem>>) -> (i32, i32) {
    %c0_i32 = arith.constant 0 : i32
    %c0_i32_0 = arith.constant 0 : i32
    %c0_i32_1 = arith.constant 0 : i32
    return %c0_i32, %c0_i32_0 : i32, i32
  }
  func.func @transform_4(%arg0: i32, %arg1: memref<1xi32, #tpu.memory_space<smem>>) -> i32 {
    %c0_i32 = arith.constant 0 : i32
    %c0_i32_0 = arith.constant 0 : i32
    return %c0_i32 : i32
  }
  func.func @transform_5(%arg0: i32, %arg1: memref<1xi32, #tpu.memory_space<smem>>) -> (i32, i32) {
    %c0_i32 = arith.constant 0 : i32
    %c0_i32_0 = arith.constant 0 : i32
    %c0_i32_1 = arith.constant 0 : i32
    return %c0_i32, %c0_i32_0 : i32, i32
  }
  func.func @transform_6(%arg0: i32, %arg1: memref<1xi32, #tpu.memory_space<smem>>) -> i32 {
    %c0_i32 = arith.constant 0 : i32
    %c0_i32_0 = arith.constant 0 : i32
    return %c0_i32 : i32
  }
  func.func @transform_7(%arg0: i32, %arg1: memref<1xi32, #tpu.memory_space<smem>>) -> (i32, i32) {
    %c0_i32 = arith.constant 0 : i32
    %c0_i32_0 = arith.constant 0 : i32
    return %arg0, %c0_i32 : i32, i32
  }
}

module attributes {stable_mosaic.version = 14 : i64} {
  func.func @_expand_body(%arg0: i32, %arg1: memref<32xi32, #tpu.memory_space<smem>>, %arg2: memref<512x1xi32, #tpu.memory_space<vmem>>, %arg3: memref<512x1xi32, #tpu.memory_space<vmem>>, %arg4: memref<1x4x128xf32, #tpu.memory_space<vmem>>, %arg5: memref<1x4x128xf32, #tpu.memory_space<vmem>>, %arg6: memref<512x1xf32, #tpu.memory_space<vmem>>) attributes {dimension_semantics = [#tpu.dimension_semantics<arbitrary>], iteration_bounds = array<i64: 32>, scalar_prefetch = 1 : i64, scratch_operands = 0 : i64, tpu.core_type = #tpu.core_type<tc>, window_params = [{transform_indices = @transform_0, window_bounds = array<i64: 512, 1>}, {transform_indices = @transform_1, window_bounds = array<i64: 512, 1>}, {transform_indices = @transform_2, window_bounds = array<i64: 1, 4, 128>}, {transform_indices = @transform_3, window_bounds = array<i64: 1, 4, 128>}, {transform_indices = @transform_4, window_bounds = array<i64: 512, 1>}]} {
    %get3A = arith.index_cast %arg0 : i32 to index
    %get3A_0 = memref.load %arg1[%get3A] : memref<32xi32, #tpu.memory_space<smem>>
    %jit3A = arith.constant 512 : i32
    %div3A = arith.divsi %get3A_0, %jit3A : i32
    %sign3A = arith.constant 0 : i32
    %sign3A_1 = arith.cmpi sgt, %get3A_0, %sign3A : i32
    %sign3A_2 = arith.extui %sign3A_1 : i1 to i32
    %sign3A_3 = arith.constant 0 : i32
    %sign3A_4 = arith.cmpi slt, %get3A_0, %sign3A_3 : i32
    %sign3A_5 = arith.extui %sign3A_4 : i1 to i32
    %sign3A_6 = arith.subi %sign3A_2, %sign3A_5 : i32
    %sign3A_7 = arith.constant 0 : i32
    %sign3A_8 = arith.cmpi sgt, %jit3A, %sign3A_7 : i32
    %sign3A_9 = arith.extui %sign3A_8 : i1 to i32
    %sign3A_10 = arith.constant 0 : i32
    %sign3A_11 = arith.cmpi slt, %jit3A, %sign3A_10 : i32
    %sign3A_12 = arith.extui %sign3A_11 : i1 to i32
    %sign3A_13 = arith.subi %sign3A_9, %sign3A_12 : i32
    %ne3A = arith.cmpi ne, %sign3A_6, %sign3A_13 : i32
    %rem3A = arith.remsi %get3A_0, %jit3A : i32
    %ne3A_14 = arith.constant 0 : i32
    %ne3A_15 = arith.cmpi ne, %rem3A, %ne3A_14 : i32
    %and3A = arith.andi %ne3A, %ne3A_15 : i1
    %sub3A = arith.constant 1 : i32
    %sub3A_16 = arith.subi %div3A, %sub3A : i32
    %select_n3A = arith.select %and3A, %sub3A_16, %div3A : i32
    %mul3A = arith.constant 512 : i32
    %mul3A_17 = arith.muli %select_n3A, %mul3A : i32
    %get3A_18 = arith.constant 0 : index
    %get3A_19 = arith.constant 0 : index
    %get3A_20 = vector.load %arg2[%get3A_18, %get3A_19] : memref<512x1xi32, #tpu.memory_space<vmem>>, vector<512x1xi32>
    %sub3A_21 = vector.broadcast %mul3A_17 : i32 to vector<512x1xi32>
    %sub3A_22 = arith.subi %get3A_20, %sub3A_21 : vector<512x1xi32>
    %get3A_23 = arith.constant 0 : index
    %get3A_24 = arith.constant 0 : index
    %get3A_25 = vector.load %arg3[%get3A_23, %get3A_24] : memref<512x1xi32, #tpu.memory_space<vmem>>, vector<512x1xi32>
    %eq3A = arith.constant 0 : i32
    %eq3A_26 = vector.broadcast %eq3A : i32 to vector<512x1xi32>
    %eq3A_27 = arith.cmpi eq, %get3A_25, %eq3A_26 : vector<512x1xi32>
    %jit3A_28 = arith.constant 128 : i32
    %div3A_29 = vector.broadcast %jit3A_28 : i32 to vector<512x1xi32>
    %div3A_30 = arith.divsi %sub3A_22, %div3A_29 : vector<512x1xi32>
    %sign3A_31 = arith.constant 0 : i32
    %sign3A_32 = vector.broadcast %sign3A_31 : i32 to vector<512x1xi32>
    %sign3A_33 = arith.cmpi sgt, %sub3A_22, %sign3A_32 : vector<512x1xi32>
    %sign3A_34 = arith.extui %sign3A_33 : vector<512x1xi1> to vector<512x1xi32>
    %sign3A_35 = arith.constant 0 : i32
    %sign3A_36 = vector.broadcast %sign3A_35 : i32 to vector<512x1xi32>
    %sign3A_37 = arith.cmpi slt, %sub3A_22, %sign3A_36 : vector<512x1xi32>
    %sign3A_38 = arith.extui %sign3A_37 : vector<512x1xi1> to vector<512x1xi32>
    %sign3A_39 = arith.subi %sign3A_34, %sign3A_38 : vector<512x1xi32>
    %sign3A_40 = arith.constant 0 : i32
    %sign3A_41 = arith.cmpi sgt, %jit3A_28, %sign3A_40 : i32
    %sign3A_42 = arith.extui %sign3A_41 : i1 to i32
    %sign3A_43 = arith.constant 0 : i32
    %sign3A_44 = arith.cmpi slt, %jit3A_28, %sign3A_43 : i32
    %sign3A_45 = arith.extui %sign3A_44 : i1 to i32
    %sign3A_46 = arith.subi %sign3A_42, %sign3A_45 : i32
    %ne3A_47 = vector.broadcast %sign3A_46 : i32 to vector<512x1xi32>
    %ne3A_48 = arith.cmpi ne, %sign3A_39, %ne3A_47 : vector<512x1xi32>
    %rem3A_49 = vector.broadcast %jit3A_28 : i32 to vector<512x1xi32>
    %rem3A_50 = arith.remsi %sub3A_22, %rem3A_49 : vector<512x1xi32>
    %ne3A_51 = arith.constant 0 : i32
    %ne3A_52 = vector.broadcast %ne3A_51 : i32 to vector<512x1xi32>
    %ne3A_53 = arith.cmpi ne, %rem3A_50, %ne3A_52 : vector<512x1xi32>
    %and3A_54 = arith.andi %ne3A_48, %ne3A_53 : vector<512x1xi1>
    %sub3A_55 = arith.constant 1 : i32
    %sub3A_56 = vector.broadcast %sub3A_55 : i32 to vector<512x1xi32>
    %sub3A_57 = arith.subi %div3A_30, %sub3A_56 : vector<512x1xi32>
    %select_n3A_58 = arith.select %and3A_54, %sub3A_57, %div3A_30 : vector<512x1xi1>, vector<512x1xi32>
    %jit3A_59 = arith.constant -1 : i32
    %broadcast_in_dim3A = vector.broadcast %jit3A_59 : i32 to vector<512x1xi32>
    %select_n3A_60 = arith.select %eq3A_27, %select_n3A_58, %broadcast_in_dim3A : vector<512x1xi1>, vector<512x1xi32>
    %jit3A_61 = arith.constant 128 : i32
    %eq3A_62 = arith.constant 0 : i32
    %eq3A_63 = arith.cmpi eq, %jit3A_61, %eq3A_62 : i32
    %jit3A_64 = arith.constant 1 : i32
    %select_n3A_65 = arith.select %eq3A_63, %jit3A_64, %jit3A_61 : i32
    %rem3A_66 = vector.broadcast %select_n3A_65 : i32 to vector<512x1xi32>
    %rem3A_67 = arith.remsi %sub3A_22, %rem3A_66 : vector<512x1xi32>
    %ne3A_68 = arith.constant 0 : i32
    %ne3A_69 = vector.broadcast %ne3A_68 : i32 to vector<512x1xi32>
    %ne3A_70 = arith.cmpi ne, %rem3A_67, %ne3A_69 : vector<512x1xi32>
    %lt3A = arith.constant 0 : i32
    %lt3A_71 = vector.broadcast %lt3A : i32 to vector<512x1xi32>
    %lt3A_72 = arith.cmpi slt, %rem3A_67, %lt3A_71 : vector<512x1xi32>
    %lt3A_73 = arith.constant 0 : i32
    %lt3A_74 = arith.cmpi slt, %select_n3A_65, %lt3A_73 : i32
    %ne3A_75 = vector.broadcast %lt3A_74 : i1 to vector<512x1xi1>
    %ne3A_76 = vector.broadcast %ne3A_75 : vector<512x1xi1> to vector<512x1xi1>
    %ne3A_77 = arith.xori %lt3A_72, %ne3A_76 : vector<512x1xi1>
    %and3A_78 = arith.andi %ne3A_77, %ne3A_70 : vector<512x1xi1>
    %add3A = vector.broadcast %select_n3A_65 : i32 to vector<512x1xi32>
    %add3A_79 = arith.addi %rem3A_67, %add3A : vector<512x1xi32>
    %select_n3A_80 = arith.select %and3A_78, %add3A_79, %rem3A_67 : vector<512x1xi1>, vector<512x1xi32>
    %iota3A = tpu.iota {dimensions = array<i32: 1>} : vector<512x8xi32>
    %iota3A_81 = tpu.iota {dimensions = array<i32: 1>} : vector<512x128xi32>
    %eq3A_82 = vector.broadcast %select_n3A_60 : vector<512x1xi32> to vector<512x8xi32>
    %eq3A_83 = arith.cmpi eq, %eq3A_82, %iota3A : vector<512x8xi32>
    %convert_element_type3A = arith.extui %eq3A_83 : vector<512x8xi1> to vector<512x8xi32>
    %convert_element_type3A_84 = arith.sitofp %convert_element_type3A : vector<512x8xi32> to vector<512x8xf32>
    %eq3A_85 = vector.broadcast %select_n3A_80 : vector<512x1xi32> to vector<512x128xi32>
    %eq3A_86 = arith.cmpi eq, %eq3A_85, %iota3A_81 : vector<512x128xi32>
    %convert_element_type3A_87 = arith.extui %eq3A_86 : vector<512x128xi1> to vector<512x128xi32>
    %convert_element_type3A_88 = arith.sitofp %convert_element_type3A_87 : vector<512x128xi32> to vector<512x128xf32>
    %get3A_89 = arith.constant 0 : index
    %get3A_90 = arith.constant 0 : index
    %get3A_91 = arith.constant 0 : index
    %get3A_92 = vector.load %arg4[%get3A_89, %get3A_90, %get3A_91] : memref<1x4x128xf32, #tpu.memory_space<vmem>>, vector<1x4x128xf32>
    %get3A_93 = vector.shape_cast %get3A_92 : vector<1x4x128xf32> to vector<4x128xf32>
    %get3A_94 = arith.constant 0 : index
    %get3A_95 = arith.constant 0 : index
    %get3A_96 = arith.constant 0 : index
    %get3A_97 = vector.load %arg5[%get3A_94, %get3A_95, %get3A_96] : memref<1x4x128xf32, #tpu.memory_space<vmem>>, vector<1x4x128xf32>
    %get3A_98 = vector.shape_cast %get3A_97 : vector<1x4x128xf32> to vector<4x128xf32>
    %concatenate3A = tpu.concatenate %get3A_93, %get3A_98 in 0 : vector<4x128xf32>, vector<4x128xf32> -> vector<8x128xf32>
    %is_finite3A = tpu.weird %concatenate3A : vector<8x128xf32> -> vector<8x128xi1>
    %is_finite3A_99 = arith.constant dense<true> : vector<8x128xi1>
    %is_finite3A_100 = arith.xori %is_finite3A, %is_finite3A_99 : vector<8x128xi1>
    %jit3A_101 = arith.constant 0.000000e+00 : f32
    %broadcast_in_dim3A_102 = vector.broadcast %jit3A_101 : f32 to vector<8x128xf32>
    %select_n3A_103 = arith.select %is_finite3A_100, %concatenate3A, %broadcast_in_dim3A_102 : vector<8x128xi1>, vector<8x128xf32>
    %dot_general3A = arith.constant dense<0.000000e+00> : vector<512x8xf32>
    %dot_general3A_104 = tpu.matmul %convert_element_type3A_88, %select_n3A_103, %dot_general3A {dimension_numbers = #tpu.dot_dimension_numbers<[1], [1], [0], [0], [0, 0, 1, 0], [], []>, precision = #tpu.contract_precision<fp32>, transpose_lhs_hint = false} : vector<512x128xf32>, vector<8x128xf32>, vector<512x8xf32> -> vector<512x8xf32>
    %mul3A_105 = arith.mulf %convert_element_type3A_84, %dot_general3A_104 : vector<512x8xf32>
    %reduce_sum3A = arith.constant dense<0.000000e+00> : vector<512xf32>
    %reduce_sum3A_106 = vector.multi_reduction <add>, %mul3A_105, %reduce_sum3A [1] : vector<512x8xf32> to vector<512xf32>
    %broadcast_in_dim3A_107 = vector.shape_cast %reduce_sum3A_106 : vector<512xf32> to vector<512x1xf32>
    %swap3A = arith.constant 0 : index
    %swap3A_108 = arith.constant 0 : index
    %swap3A_109 = vector.load %arg6[%swap3A, %swap3A_108] : memref<512x1xf32, #tpu.memory_space<vmem>>, vector<512x1xf32>
    tpu.vector_store %arg6[%swap3A, %swap3A_108], %broadcast_in_dim3A_107 {strides = array<i32>} : memref<512x1xf32, #tpu.memory_space<vmem>>, vector<512x1xf32>,
    return
  }
  func.func @transform_0(%arg0: i32, %arg1: memref<32xi32, #tpu.memory_space<smem>>) -> (i32, i32) {
    %c0_i32 = arith.constant 0 : i32
    %c0_i32_0 = arith.constant 0 : i32
    return %arg0, %c0_i32 : i32, i32
  }
  func.func @transform_1(%arg0: i32, %arg1: memref<32xi32, #tpu.memory_space<smem>>) -> (i32, i32) {
    %c0_i32 = arith.constant 0 : i32
    %c0_i32_0 = arith.constant 0 : i32
    return %arg0, %c0_i32 : i32, i32
  }
  func.func @transform_2(%arg0: i32, %arg1: memref<32xi32, #tpu.memory_space<smem>>) -> (i32, i32, i32) {
    %get3A = arith.index_cast %arg0 : i32 to index
    %get3A_0 = memref.load %arg1[%get3A] : memref<32xi32, #tpu.memory_space<smem>>
    %jit3A = arith.constant 512 : i32
    %div3A = arith.divsi %get3A_0, %jit3A : i32
    %sign3A = arith.constant 0 : i32
    %sign3A_1 = arith.cmpi sgt, %get3A_0, %sign3A : i32
    %sign3A_2 = arith.extui %sign3A_1 : i1 to i32
    %sign3A_3 = arith.constant 0 : i32
    %sign3A_4 = arith.cmpi slt, %get3A_0, %sign3A_3 : i32
    %sign3A_5 = arith.extui %sign3A_4 : i1 to i32
    %sign3A_6 = arith.subi %sign3A_2, %sign3A_5 : i32
    %sign3A_7 = arith.constant 0 : i32
    %sign3A_8 = arith.cmpi sgt, %jit3A, %sign3A_7 : i32
    %sign3A_9 = arith.extui %sign3A_8 : i1 to i32
    %sign3A_10 = arith.constant 0 : i32
    %sign3A_11 = arith.cmpi slt, %jit3A, %sign3A_10 : i32
    %sign3A_12 = arith.extui %sign3A_11 : i1 to i32
    %sign3A_13 = arith.subi %sign3A_9, %sign3A_12 : i32
    %ne3A = arith.cmpi ne, %sign3A_6, %sign3A_13 : i32
    %rem3A = arith.remsi %get3A_0, %jit3A : i32
    %ne3A_14 = arith.constant 0 : i32
    %ne3A_15 = arith.cmpi ne, %rem3A, %ne3A_14 : i32
    %and3A = arith.andi %ne3A, %ne3A_15 : i1
    %sub3A = arith.constant 1 : i32
    %sub3A_16 = arith.subi %div3A, %sub3A : i32
    %select_n3A = arith.select %and3A, %sub3A_16, %div3A : i32
    %c0_i32 = arith.constant 0 : i32
    %c0_i32_17 = arith.constant 0 : i32
    %c0_i32_18 = arith.constant 0 : i32
    return %select_n3A, %c0_i32, %c0_i32_17 : i32, i32, i32
  }
  func.func @transform_3(%arg0: i32, %arg1: memref<32xi32, #tpu.memory_space<smem>>) -> (i32, i32, i32) {
    %get3A = arith.index_cast %arg0 : i32 to index
    %get3A_0 = memref.load %arg1[%get3A] : memref<32xi32, #tpu.memory_space<smem>>
    %jit3A = arith.constant 512 : i32
    %div3A = arith.divsi %get3A_0, %jit3A : i32
    %sign3A = arith.constant 0 : i32
    %sign3A_1 = arith.cmpi sgt, %get3A_0, %sign3A : i32
    %sign3A_2 = arith.extui %sign3A_1 : i1 to i32
    %sign3A_3 = arith.constant 0 : i32
    %sign3A_4 = arith.cmpi slt, %get3A_0, %sign3A_3 : i32
    %sign3A_5 = arith.extui %sign3A_4 : i1 to i32
    %sign3A_6 = arith.subi %sign3A_2, %sign3A_5 : i32
    %sign3A_7 = arith.constant 0 : i32
    %sign3A_8 = arith.cmpi sgt, %jit3A, %sign3A_7 : i32
    %sign3A_9 = arith.extui %sign3A_8 : i1 to i32
    %sign3A_10 = arith.constant 0 : i32
    %sign3A_11 = arith.cmpi slt, %jit3A, %sign3A_10 : i32
    %sign3A_12 = arith.extui %sign3A_11 : i1 to i32
    %sign3A_13 = arith.subi %sign3A_9, %sign3A_12 : i32
    %ne3A = arith.cmpi ne, %sign3A_6, %sign3A_13 : i32
    %rem3A = arith.remsi %get3A_0, %jit3A : i32
    %ne3A_14 = arith.constant 0 : i32
    %ne3A_15 = arith.cmpi ne, %rem3A, %ne3A_14 : i32
    %and3A = arith.andi %ne3A, %ne3A_15 : i1
    %sub3A = arith.constant 1 : i32
    %sub3A_16 = arith.subi %div3A, %sub3A : i32
    %select_n3A = arith.select %and3A, %sub3A_16, %div3A : i32
    %add3A = arith.constant 1 : i32
    %add3A_17 = arith.addi %select_n3A, %add3A : i32
    %c0_i32 = arith.constant 0 : i32
    %c0_i32_18 = arith.constant 0 : i32
    %c0_i32_19 = arith.constant 0 : i32
    return %add3A_17, %c0_i32, %c0_i32_18 : i32, i32, i32
  }
  func.func @transform_4(%arg0: i32, %arg1: memref<32xi32, #tpu.memory_space<smem>>) -> (i32, i32) {
    %c0_i32 = arith.constant 0 : i32
    %c0_i32_0 = arith.constant 0 : i32
    return %arg0, %c0_i32 : i32, i32
  }
}

</mosaic_0001>

<sc_bundles>
// kernel: kernel.6.cloned.1.call-start
scs
__scs_entry_jumppad:
0x0: {  	(pc) =	sbr.rel $0x88, $3  }
0x1: {  	(tag) =	ssettag $0x0;
	lr =	simm.s32 $0x1  }
0x2: {  	[smem:$0x3F99] =	sst lr;
	_ =	strace $0xD0000000  }
0x3: {  	_ = 	snop  }
0x4: {  	_ = 	snop  }
0x5: {  	_ = 	snop  }
0x6: {  	_ = 	snop  }
0x7: {  	_ = 	snop  }
__scs_overlays_trampoline_lowered:
0x8: {  	[smem:$0x3FA8] =	sst s0  }
0x9: {  	[smem:$0x3FA9] =	sst s1  }
0xa: {  	[smem:$0x3FAA] =	sst s2  }
0xb: {  	[smem:$0x3FAB] =	sst s3  }
0xc: {  	[smem:$0x3FAC] =	sst s4  }
0xd: {  	[smem:$0x3FAD] =	sst s5  }
0xe: {  	[smem:$0x3FAE] =	sst s6  }
0xf: {  	[smem:$0x3FAF] =	sst s7  }
0x10: {  	[smem:$0x3FB0] =	sst s8  }
0x11: {  	[smem:$0x3FB1] =	sst s9;
	s0 =	simm.s32 @!p0 $0x0  }
0x12: {  	s1 =	sld [smem:$0x3F97];
	s0 =	simm.s32 @p0 $0x1  }
0x13: {  	[smem:$0x3FB2] =	sst s0;
	s0 =	simm.s32 @!p1 $0x0  }
0x14: {  	s2 =	sld [smem:$0x3F96];
	s0 =	simm.s32 @p1 $0x1  }
0x15: {  	[smem:$0x3FB3] =	sst s0;
	s0 =	simm.s32 @!p2 $0x0  }
0x16: {  	s3 =	sld [smem:$0x3FDB];
	s0 =	simm.s32 @p2 $0x1  }
0x17: {  	s4 =	simm.s32 $0x1BF5;
	[smem:$0x3FB5] =	sst s0  }
0x18: {  	s0 =	sld [smem:$0x3F98];
	_ =	swait.ge [sflag:s4], $0x0  }
0x19: {  	s7 =	sld [smem:$0x3F99]  }
0x1a: {  	s8 =	sadd.s32 $0xFFFFE003, lr  }
0x1b: {  	s9 =	sadd.s32 $0xFFFFFEF7, lr;
	s5 =	simm.s32 $0xFFFFFFFF;
	p2 =	slt.u32 s8, $0xFFFFF086  }
0x1c: {  	p1 =	slt.u32 s9, $0xF7A;
	s5 =	simm.s32 @!p2 $0x0  }
0x1d: {  	s5 =	simm.s32 @p1 $0x1;
	p0 =	seq.s32 s7, s2  }
0x1e: {  	s7 =	smul.u32 @!p0 $0xF7A, s2;
	p2 =	seq.s32 @!p0 s5, $0x0  }
0x1f: {  	s9 =	smul.u32 $0xF7A, s1;
	s8 =	simm.s32 @!p0 $0x1BF5;
	p2 =	por !p2, p0  }
0x20: {  	[sflag:s8] =	ssyncset.s32 @!p0 $0xFFFFF086;
	s6 =	sadd.s32 @!p0 s3, s7;
	s7 =	simm.s32 @!p0 $0x108  }
0x21: {  	s3 =	sadd.s32 s3, s9;
	s6 =	sadd.s32 @!p0 $0x88, s6;
	s7 =	simm.s32 @p2 $0x1082  }
0x22: {  	[simem:s7], [sflag:s8] =	dma.local @!p0 [hbm:s6], $0xF7A  }
0x23: {  	s9 =	sor.u32 $0xD0000000, s2;
	s6 =	simm.s32 $0x108;
	_ =	swait.ge @!p0 [sflag:s8], $0x0  }
0x24: {  	s3 =	sadd.s32 $0x88, s3;
	s6 =	simm.s32 @!p1 $0x1082;
	[sflag:s4] =	ssyncset.s32 $0xFFFFF086  }
0x25: {  	[simem:s6], [sflag:s4] =	dma.local [hbm:s3], $0xF7A  }
0x26: {  	[smem:$0x3F99] =	sst s1;
	(tag) =	ssettag s2;
	_ =	strace s9  }
0x27: {  	s1 =	sld [smem:$0x3FA9]  }
0x28: {  	s2 =	sld [smem:$0x3FAA]  }
0x29: {  	s4 =	sld [smem:$0x3FAC]  }
0x2a: {  	p0 =	seq.s32 s5, $0x0;
	s5 =	sld [smem:$0x3FAD]  }
0x2b: {  	s6 =	sld [smem:$0x3FAE]  }
0x2c: {  	s7 =	sld [smem:$0x3FAF]  }
0x2d: {  	s3 =	simm.s32 $0x108;
	s8 =	sld [smem:$0x3FB0]  }
0x2e: {  	s3 =	simm.s32 @!p0 $0x1082;
	s9 =	sld [smem:$0x3FB1]  }
0x2f: {  	lr =	sadd.s32 s0, s3;
	s0 =	sld [smem:$0x3FA8]  }
0x30: {  	s3 =	sld [smem:$0x3FAB]  }
0x31: {  	[smem:$0x3FB4] =	sst s10  }
0x32: {  	s10 =	sld [smem:$0x3FB2];
	_ =	sdelay $0x3  }
0x33: {  	p0 =	seq.s32 s10, $0x1;
	s10 =	sld [smem:$0x3FB4];
	_ =	sdelay $0x3  }
0x34: {  	[smem:$0x3FB4] =	sst s10  }
0x35: {  	s10 =	sld [smem:$0x3FB3];
	_ =	sdelay $0x3  }
0x36: {  	p1 =	seq.s32 s10, $0x1;
	s10 =	sld [smem:$0x3FB4];
	_ =	sdelay $0x3  }
0x37: {  	[smem:$0x3FB4] =	sst s10  }
0x38: {  	s10 =	sld [smem:$0x3FB5]  }
0x39: {  	_ = 	snop;
	(pc) =	sbr.ind lr, $3  }
0x3a: {  	_ = 	snop  }
0x3b: {  	_ = 	snop  }
0x3c: {  	p2 =	seq.s32 s10, $0x1;
	s10 =	sld [smem:$0x3FB4]  }
0x3d: {  	_ =	shalt  }
0x3e: {  	_ =	shalt  }
0x3f: {  	_ =	shalt  }
0x40: {  	_ =	shalt  }
0x41: {  	_ =	shalt  }
0x42: {  	_ =	shalt  }
0x43: {  	_ =	shalt  }
0x44: {  	_ =	shalt  }
0x45: {  	_ =	shalt  }
0x46: {  	_ =	shalt  }
0x47: {  	_ =	shalt  }
0x48: {  	_ =	shalt  }
0x49: {  	_ =	shalt  }
0x4a: {  	_ =	shalt  }
0x4b: {  	_ =	shalt  }
0x4c: {  	_ =	shalt  }
0x4d: {  	_ =	shalt  }
0x4e: {  	_ =	shalt  }
0x4f: {  	_ =	shalt  }
0x50: {  	_ =	shalt  }
0x51: {  	_ =	shalt  }
0x52: {  	_ =	shalt  }
0x53: {  	_ =	shalt  }
0x54: {  	_ =	shalt  }
0x55: {  	_ =	shalt  }
0x56: {  	_ =	shalt  }
0x57: {  	_ =	shalt  }
0x58: {  	_ =	shalt  }
0x59: {  	_ =	shalt  }
0x5a: {  	_ =	shalt  }
0x5b: {  	_ =	shalt  }
0x5c: {  	_ =	shalt  }
0x5d: {  	_ =	shalt  }
0x5e: {  	_ =	shalt  }
0x5f: {  	_ =	shalt  }
0x60: {  	_ =	shalt  }
0x61: {  	_ =	shalt  }
0x62: {  	_ =	shalt  }
0x63: {  	_ =	shalt  }
0x64: {  	_ =	shalt  }
0x65: {  	_ =	shalt  }
0x66: {  	_ =	shalt  }
0x67: {  	_ =	shalt  }
0x68: {  	_ =	shalt  }
0x69: {  	_ =	shalt  }
0x6a: {  	_ =	shalt  }
0x6b: {  	_ =	shalt  }
0x6c: {  	_ =	shalt  }
0x6d: {  	_ =	shalt  }
0x6e: {  	_ =	shalt  }
0x6f: {  	_ =	shalt  }
0x70: {  	_ =	shalt  }
0x71: {  	_ =	shalt  }
0x72: {  	_ =	shalt  }
0x73: {  	_ =	shalt  }
0x74: {  	_ =	shalt  }
0x75: {  	_ =	shalt  }
0x76: {  	_ =	shalt  }
0x77: {  	_ =	shalt  }
0x78: {  	_ =	shalt  }
0x79: {  	_ =	shalt  }
0x7a: {  	_ =	shalt  }
0x7b: {  	_ =	shalt  }
0x7c: {  	_ =	shalt  }
0x7d: {  	_ =	shalt  }
0x7e: {  	_ =	shalt  }
0x7f: {  	_ =	shalt  }
0x80: {  	_ =	shalt  }
0x81: {  	_ =	shalt  }
0x82: {  	_ =	shalt  }
0x83: {  	_ =	shalt  }
0x84: {  	_ =	shalt  }
0x85: {  	_ =	shalt  }
0x86: {  	_ =	shalt  }
0x87: {  	_ =	shalt  }
.Lfunc_end0:
.L_simem_size_0:
called_computation_lowered:
.L_overlay_start_0:
0x88: {  	s2 =	sld [smem:$0x3FD9]  }
0x89: {  	s3 =	sld [smem:$0x3FFE];
	_ =	sdelay $0x1  }
0x8a: {  	s1 =	srdreg.scid  }
0x8b: {  	s0 =	sand.u32 $0x1, s1  }
0x8c: {  	s17 =	sshll.u32 s0, $0xA;
	s2 =	sadd.s32 s3, s2  }
0x8d: {  	s2 =	sadd.s32 s2, s17  }
0x8e: {  	[smem:$0x3FC0] =	sst s2  }
0x8f: {  	_ = 	snop  }
0x90: {  	s2 =	sld [smem:$0x3FC9]  }
0x91: {  	s18 =	sld [smem:$0x3FD0];
	(tm) =	ssettm $0x1  }
0x92: {  	s4 =	sld [smem:$0x3FFB];
	_ =	sdelay $0x3  }
0x93: {  	_ =	strace s4  }
0x94: {  	s4 =	sld [smem:$0x3FFC];
	_ =	sdelay $0x3  }
0x95: {  	_ =	strace s4  }
0x96: {  	s4 =	sld [smem:$0x3FFD];
	_ =	sdelay $0x3  }
0x97: {  	_ =	strace s4  }
0x98: {  	_ =	strace $0x8FFFFFFF  }
0x99: {  	s19 =	sld [smem:$0x3FDB];
	_ =	sdelay $0x1  }
0x9a: {  	s5 =	simm.s32 $_scs_section_size  }
0x9b: {  	s6 =	simm.s32 $_size__tile_overlayer_lowered;
	s7 =	simm.s32 $_tile_overlayer_lowered  }
0x9c: {  	s22 =	simm.s32 $0x1BFF;
	s21 =	sshll.u32 s7, $0x1;
	s4 =	sadd.s32 s5, s19  }
0x9d: {  	s8 =	simm.s32 $0x0;
	s20 =	sshll.u32 s6, $0x1;
	s6 =	sadd.s32 s21, s4  }
0x9e: {  	[timem:s8], [sflag:s22] =	dma.local [hbm:s6], s20  }
0x9f: {  	_ =	swait.ge [sflag:s22], s20  }
0xa0: {  	s5 =	ssub.s32 $0x0, s20;
	[sflag:s22] =	ssyncset.done $0x0  }
0xa1: {  	[sflag:s22] =	ssyncadd.s32 s5;
	_ =	sdelay $0x1  }
0xa2: {  	s23 =	simm.s32 $0x1B8B  }
0xa3: {  	_ =	swait.ge [sflag:s23], $0x1  }
0xa4: {  	[sflag:s23] =	ssyncset.done $0x0  }
0xa5: {  	s25 =	simm.s32 $0x1B8E;
	s24 =	sld [smem:$0x3FFE];
	[sflag:s23] =	ssyncadd.s32 $0xFFFFFFFF  }
0xa6: {  	s26 =	simm.s32 $execute0_lowered;
	[smem:$0x3FD2] =	sst s25  }
0xa7: {  	s6 =	sshll.u32 s26, $0x1;
	_ =	strace $0x80000046;
	[dreg:$0x1] =	wrdreg $0xFFFFFFFF  }
0xa8: {  	s28 =	simm.s32 $_size_execute0_lowered;
	s4 =	sadd.s32 s4, s6;
	[dreg:$0x0] =	wrdreg $0x0  }
0xa9: {  	s6 =	sshll.u32 s28, $0x1;
	[dreg:$0x2] =	wrdreg s4  }
0xaa: {  	[dreg:$0x3] =	wrdreg s6  }
0xab: {  	[dreg:$0x4] =	wrdreg $0xC0  }
0xac: {  	_ =	task [dreg:s8], $0x5FFFF  }
0xad: {  	[dreg:$0x1] =	wrdreg $0xFFFFFFFF  }
0xae: {  	[dreg:$0x0] =	wrdreg $0x60  }
0xaf: {  	[dreg:$0x2] =	wrdreg s18  }
0xb0: {  	[dreg:$0x3] =	wrdreg s2  }
0xb1: {  	[dreg:$0x4] =	wrdreg s24  }
0xb2: {  	[dreg:$0x5] =	wrdreg $0x9  }
0xb3: {  	_ =	task.clear_ibuf [dreg:s8], $0x6FFFF;
	_ =	strace $0x90000046  }
0xb4: {  	s29 =	simm.s32 $0x9;
	_ =	strace $0x80000048  }
0xb5: {  	_ =	swait.ge [sflag:s29], $0x1  }
0xb6: {  	[sflag:s29] =	ssyncadd.s32 $0xFFFFFFFF  }
0xb7: {  	_ =	strace $0x90000048  }
0xb8: {  	_ =	sfence  }
0xb9: {  	s30 =	sld [smem:$0x0];
	_ =	sdelay $0x2  }
0xba: {  	s31 =	sshll.u32 s1, $0xD;
	s1 =	sshrl.u32 s1, $0x2  }
0xbb: {  	s3 =	sand.u32 $0x4000, s31;
	s1 =	sadd.s32 s1, s30  }
0xbc: {  	s0 =	sor.u32 s3, s0;
	s1 =	sshll.u32 s1, $0x11  }
0xbd: {  	s0 =	sor.u32 s1, s0  }
0xbe: {  	s0 =	sadd.s32 $0x8F2B, s0  }
0xbf: {  	[sflag:s0] =	ssyncadd.remote.s32 $0x1  }
0xc0: {  	_ =	sfence.sel $0xFFFF  }
0xc1: {  	[dreg:$0x0] =	wrdreg $0xFFFFFFFF;
	(pc) =	sbr.abs _section_cstart, $3  }
0xc2: {  	[dreg:$0x1] =	wrdreg $0xFFFFFFFF  }
0xc3: {  	_ =	task.clear_ibuf [dreg:s8], $0x2FFFF;
	_ =	strace $0x9FFFFFFF  }
0xc4: {  	(tm) =	ssettm $0x7FFFFFFF  }
0xc5: {  	_ =	shalt  }
tec
execute0_lowered:
.L_overlay_start_1:
0x0: {  	(tag) =	ssettag $0x1  }
0x1: {  	s5 =	rddreg [dreg:$0x0]  }
0x2: {  	s1 =	srdreg.scid;
	s2 =	rddreg [dreg:$0x1]  }
0x3: {  	s0 =	stileid.u32;
	s4 =	rddreg [dreg:$0x2];
	s7 =	simm.s32 $0x1  }
0x4: {  	s3 =	simm.s32 $0x0;
	s16 =	simm.s32 $0x5;
	s17 =	simm.s32 $0x0  }
0x5: {  	s6 =	sand.u32 $0x1, s1;
	s31 =	sshll.u32 s0, $0x1;
	[smem:$0x7FF] =	sst s3  }
0x6: {  	s4 =	sadd.s32 $0x1600, s4;
	s10 =	sadd.s32 $0x400, s2;
	s1 =	sor.u32 s6, s31  }
0x7: {  	s11 =	sadd.s32 $0x500, s2;
	p1 =	seq.s32 s6, $0x1;
	p0 =	seq.s32 s1, $0x0  }
0x8: {  	s12 =	sadd.s32 $0x600, s2;
	s13 =	sadd.s32 $0x700, s2;
	p0 =	por !p0, !p1  }
0x9: {  	s15 =	sshll.u32 s0, $0xA;
	s8 =	ssub.s32 $0x2, s6;
	p0 =	por !p0, !p0  }
0xa: {  	s6 =	sshll.u32 s6, $0x9;
	s1 =	rddreg [dreg:$0x3];
	s7 =	simm.s32 @!p0 $0x0  }
0xb: {  	_ =	strace $0x80000047;
	s9 =	sshrl.u32 s8, $0x1;
	s7 =	ssub.s32 s0, s7  }
0xc: {  	s15 =	sor.u32 s6, s15;
	s14 =	ssub.s32 s8, s9;
	s7 =	sshll.u32 s7, $0x7  }
0xd: {  	s8 =	sadd.s32 $0x200, s2;
	s9 =	sadd.s32 $0x300, s2;
	s7 =	sand.u32 $0x1FFFFF80, s7  }
0xe: {  	v0 =	vlaneseq.u32;
	v1 =	vimm.s32 $0x0;
	s14 =	smax.u32 s14, $0x1;
	s5 =	sadd.s32 s5, s7;
	s7 =	sadd.s32 $0x100, s2  }
.LBB2_1:
0xf: {  	[tilespmem:s3], [sflag:$0x5] =	stream.linear.gather [hbm4b:s5+s3], $0x400, $0x38;
	[tilespmem:$0x10700] =	vst v63  }
0x10: {  	s18 =	sand.u32 $0x600, s3  }
0x11: {  	_ =	swait.ge [sflag:s16], $0x400;
	s18 =	sshrl.u32 s18, $0x2  }
0x12: {  	s19 =	sand.u32 $0x70, s3;
	[sflag:s16] =	ssyncset.done $0x0;
	s18 =	sadd.s32 s18, s6  }
0x13: {  	[sflag:s16] =	ssyncadd.s32 $0xFFFFFC00;
	s18 =	sadd.s32 s19, s18  }
0x14: {  	v2 =	vld [tilespmem:s18+$0x0];
	_ =	sdelay $0x4  }
0x15: {  	vm0 =	vlt.s32 v2, $0x4000  }
0x16: {  	v4 =	vsel vm0, $0x1, v1  }
0x17: {  	(xrf0) =	vadd.scan.msk.s32 $0xffff, v4;
	_ =	sdelay $0x2  }
0x18: {  	s20 =	sadd.s32 $0x0, s15;
	v4 =	vimm.s32 $0x4000  }
0x19: {  	s29 =	simm.s32 $0x40;
	v3 =	vor.u32 s20, v0  }
0x1a: {  	s18 =	sand.u32 $0x600, s29;
	[tilespmem:s3+$0x400] =	vst.msk vm0, v3;
	vm0 =	vlt.s32 v4, v2  }
0x1b: {  	s30 =	simm.s32 $0x10;
	s18 =	sshrl.u32 s18, $0x2;
	v2 =	vsel vm0, v4, v2;
	v4, _, _ =	vpop (xrf0)  }
0x1c: {  	s19 =	sand.u32 $0x70, s30;
	s18 =	sadd.s32 s18, s6;
	(v2sf) =	vpush v4, $0xF  }
0x1d: {  	s18 =	sadd.s32 s19, s18  }
0x1e: {  	v3 =	vld [tilespmem:s18+$0x0];
	_ =	sdelay $0x4  }
0x1f: {  	vm0 =	vlt.s32 v3, $0x4000  }
0x20: {  	v5 =	vsel vm0, $0x1, v1  }
0x21: {  	(xrf0) =	vadd.scan.msk.s32 $0xffff, v5;
	_ =	sdelay $0x2  }
0x22: {  	s31 =	simm.s32 $0x80  }
0x23: {  	s21 =	sadd.s32 $0x10, s15;
	s22 =	sand.u32 $0x600, s31;
	vm1 =	vlt.s32 v2, v3  }
0x24: {  	s20 =	simm.s32 $0xC0;
	s19 =	simm.s32 $0x20;
	s18 =	simm.s32 $0x0;
	v3 =	vsel vm1, v2, v3  }
.LBB2_2:
0x25: {  	p0 =	sne.s32 s20, $0x7C0;
	s22 =	sshrl.u32 s22, $0x2;
	v2, _, _ =	vpop (xrf0);
	s23 =	spop (v2sf)  }
0x26: {  	s24 =	sand.u32 $0x70, s19;
	v4 =	vor.u32 s21, v0;
	s22 =	sadd.s32 s22, s6;
	(v2sf) =	vpush v2, $0xF;
	s18 =	sadd.s32 s18, s23  }
0x27: {  	s23 =	smov.u32 s19;
	s21 =	sadd.s32 s24, s22;
	[tilespmem:s18+$0x400] =	vst.msk vm0, v4  }
0x28: {  	v2 =	vld [tilespmem:s21+$0x0];
	_ =	sdelay $0x4  }
0x29: {  	vm0 =	vlt.s32 v2, $0x4000;
	vm1 =	vlt.s32 v3, v2  }
0x2a: {  	v4 =	vsel vm0, $0x1, v1;
	v3 =	vsel vm1, v3, v2  }
0x2b: {  	(xrf0) =	vadd.scan.msk.s32 $0xffff, v4  }
.Ltmp0:
0x2c: {  	(pc) =	sbr.rel @p0 .LBB2_2-.Ltmp0, $3  }
0x2d: {  	_ =	sdelay $0x1  }
0x2e: {  	s19 =	sadd.s32 $0x10, s19  }
0x2f: {  	s22 =	sand.u32 $0x600, s20;
	s20 =	sadd.s32 $0x40, s20;
	s21 =	sadd.s32 s23, s15  }
0x30: {  	s20 =	sshrl.u32 s22, $0x2;
	s25 =	spop (v2sf)  }
0x31: {  	s23 =	sand.u32 $0x70, s19;
	v2 =	vor.u32 s21, v0;
	s20 =	sadd.s32 s20, s6;
	s18 =	sadd.s32 s18, s25  }
0x32: {  	s20 =	sadd.s32 s23, s20;
	[tilespmem:s18+$0x400] =	vst.msk vm0, v2  }
0x33: {  	v4 =	vld [tilespmem:s20+$0x0];
	_ =	sdelay $0x4  }
0x34: {  	vm14 =	vlt.s32 v4, $0x4000  }
0x35: {  	v2 =	vsel vm14, $0x1, v1  }
0x36: {  	(xrf0) =	vadd.scan.msk.s32 $0xffff, v2;
	_ =	sdelay $0x4  }
0x37: {  	v2, _, _ =	vpop (xrf0)  }
0x38: {  	(v2sf) =	vpush v2, $0xF;
	v2, _, _ =	vpop (xrf0)  }
0x39: {  	(v2sf) =	vpush v2, $0xF;
	_ =	sdelay $0xd  }
0x3a: {  	s26 =	spop (v2sf)  }
0x3b: {  	s20 =	sadd.s32 s18, s26;
	s28 =	spop (v2sf)  }
0x3c: {  	s18 =	sadd.s32 s20, s28  }
0x3d: {  	p2 =	sle.s32 s18, $0x0  }
0x3e: {  	s22 =	simm.s32 $0x0;
	s29 =	sadd.s32 $0xFFFFFFFF, s18;
	v5 =	vlaneseq.u32 @!p2  }
0x3f: {  	v2 =	vmov s29;
	v6 =	vor.u32 @!p2 s22, v5  }
0x40: {  	vm1 =	vlt.s32 @!p2 v6, v2  }
0x41: {  	v6 =	vsel @!p2 vm1, v6, v2;
	_ =	sdelay $0x1  }
0x42: {  	s30 =	sadd.s32 s19, s15  }
0x43: {  	v7 =	vor.u32 s30, v0;
	p0 =	por p2, p2  }
0x44: {  	[tilespmem:s20+$0x400] =	vst.msk vm14, v7;
	s19 =	simm.s32 @!p0 $0x400  }
0x45: {  	v6 =	vld.idx.msk @!p0 [tilespmem:v6+s19+$0x0], $0xffff;
	_ =	sdelay $0x4  }
0x46: {  	v7 =	vshll.u32 @!p0 v6, $0x4  }
0x47: {  	v8 =	vand.u32 @!p0 $0x7, v6;
	v7 =	vand.u32 @!p0 $0xFFFFFF80, v7  }
0x48: {  	v9 =	vand.u32 @!p2 $0x7, v5;
	v7 =	vor.u32 @!p0 v8, v7;
	v8 =	vshrl.u32 @!p2 v5, $0x3  }
0x49: {  	v8 =	vmul.u32 @!p2 $0x8, v8;
	v9 =	vperm.xlane @!p0 v7, v9;
	_ =	sdelay $0x1  }
0x4a: {  	v9 =	vadd.s32 @!p0 v8, v9;
	_ =	sdelay $0x3  }
0x4b: {  	vm0 =	vmmov @!p0 $0xffff;
	s20 =	simm.s32 @!p0 $0x0;
	s21 =	simm.s32 @!p0 $0x700;
	[tilespmem:$0x600] =	vst @!p0 v6  }
0x4c: {  	[tilespmem:s21], [sflag:$0x1] =	stream.indirect_vreg.gather @!p0 [hbm4b:s2+s20], $0x80, v9, vm0, $0xb8;
	[tilespmem:$0x10700] =	vst v63  }
0x4d: {  	s19 =	simm.s32 @!p0 $0xF00  }
0x4e: {  	[tilespmem:s19], [sflag:$0x1] =	stream.indirect_vreg.gather @!p0 [hbm4b:s7+s20], $0x80, v9, vm0, $0xb8;
	[tilespmem:$0x10700] =	vst v63  }
0x4f: {  	s19 =	simm.s32 @!p0 $0x1700  }
0x50: {  	[tilespmem:s19], [sflag:$0x1] =	stream.indirect_vreg.gather @!p0 [hbm4b:s8+s20], $0x80, v9, vm0, $0xb8;
	[tilespmem:$0x10700] =	vst v63  }
0x51: {  	s19 =	simm.s32 @!p0 $0x1F00  }
0x52: {  	[tilespmem:s19], [sflag:$0x1] =	stream.indirect_vreg.gather @!p0 [hbm4b:s9+s20], $0x80, v9, vm0, $0xb8;
	[tilespmem:$0x10700] =	vst v63  }
0x53: {  	s19 =	simm.s32 @!p0 $0x2700  }
0x54: {  	v5 =	vor.u32 @!p2 $0x8, v5;
	[tilespmem:s19], [sflag:$0x1] =	stream.indirect_vreg.gather @!p0 [hbm4b:s10+s20], $0x80, v9, vm0, $0xb8;
	[tilespmem:$0x10700] =	vst v63  }
0x55: {  	v5 =	vperm.xlane @!p0 v7, v5;
	s19 =	simm.s32 @!p0 $0x2F00  }
0x56: {  	[tilespmem:s19], [sflag:$0x1] =	stream.indirect_vreg.gather @!p0 [hbm4b:s11+s20], $0x80, v9, vm0, $0xb8;
	[tilespmem:$0x10700] =	vst v63  }
0x57: {  	v5 =	vadd.s32 @!p0 v8, v5;
	s19 =	simm.s32 @!p0 $0x3700  }
0x58: {  	[tilespmem:s19], [sflag:$0x1] =	stream.indirect_vreg.gather @!p0 [hbm4b:s12+s20], $0x80, v9, vm0, $0xb8;
	[tilespmem:$0x10700] =	vst v63  }
0x59: {  	s19 =	simm.s32 @!p0 $0x3F00  }
0x5a: {  	[tilespmem:s19], [sflag:$0x1] =	stream.indirect_vreg.gather @!p0 [hbm4b:s13+s20], $0x80, v9, vm0, $0xb8;
	[tilespmem:$0x10700] =	vst v63  }
0x5b: {  	s19 =	simm.s32 @!p0 $0x4700  }
0x5c: {  	[tilespmem:s19], [sflag:$0x1] =	stream.indirect_vreg.gather @!p0 [hbm4b:s2+s20], $0x80, v5, vm0, $0xb8;
	[tilespmem:$0x10700] =	vst v63  }
0x5d: {  	s19 =	simm.s32 @!p0 $0x4F00  }
0x5e: {  	[tilespmem:s19], [sflag:$0x1] =	stream.indirect_vreg.gather @!p0 [hbm4b:s7+s20], $0x80, v5, vm0, $0xb8;
	[tilespmem:$0x10700] =	vst v63  }
0x5f: {  	s19 =	simm.s32 @!p0 $0x5700  }
0x60: {  	[tilespmem:s19], [sflag:$0x1] =	stream.indirect_vreg.gather @!p0 [hbm4b:s8+s20], $0x80, v5, vm0, $0xb8;
	[tilespmem:$0x10700] =	vst v63  }
0x61: {  	p1 =	sle.s32 s18, $0x10;
	s19 =	simm.s32 @!p0 $0x5F00  }
0x62: {  	[tilespmem:s19], [sflag:$0x1] =	stream.indirect_vreg.gather @!p0 [hbm4b:s9+s20], $0x80, v5, vm0, $0xb8;
	[tilespmem:$0x10700] =	vst v63  }
0x63: {  	s22 =	simm.s32 @!p0 $0x6700;
	v6 =	vlaneseq.u32 @!p1;
	s19 =	simm.s32 $0x10  }
0x64: {  	v7 =	vor.u32 @!p1 s19, v6;
	[tilespmem:s22], [sflag:$0x1] =	stream.indirect_vreg.gather @!p0 [hbm4b:s10+s20], $0x80, v5, vm0, $0xb8;
	[tilespmem:$0x10700] =	vst v63  }
0x65: {  	s19 =	simm.s32 @!p0 $0x6F00;
	vm1 =	vlt.s32 @!p1 v7, v2  }
0x66: {  	v7 =	vsel @!p1 vm1, v7, v2;
	[tilespmem:s19], [sflag:$0x1] =	stream.indirect_vreg.gather @!p0 [hbm4b:s11+s20], $0x80, v5, vm0, $0xb8;
	[tilespmem:$0x10700] =	vst v63  }
0x67: {  	s19 =	simm.s32 @!p0 $0x7700  }
0x68: {  	[tilespmem:s19], [sflag:$0x1] =	stream.indirect_vreg.gather @!p0 [hbm4b:s12+s20], $0x80, v5, vm0, $0xb8;
	[tilespmem:$0x10700] =	vst v63  }
0x69: {  	s22 =	simm.s32 @!p1 $0x400;
	s19 =	simm.s32 @!p0 $0x7F00  }
0x6a: {  	vm15 =	vlt.s32 v3, v4;
	[tilespmem:s19], [sflag:$0x1] =	stream.indirect_vreg.gather @!p0 [hbm4b:s13+s20], $0x80, v5, vm0, $0xb8;
	[tilespmem:$0x10700] =	vst v63  }
0x6b: {  	v3 =	vsel vm15, v3, v4;
	v4 =	vld.idx.msk @!p1 [tilespmem:v7+s22+$0x0], $0xffff;
	_ =	sdelay $0x1  }
0x6c: {  	v3 =	vxor.u32 $0x80000000, v3  }
0x6d: {  	(xrf0) =	vmin.scan.msk.u32 $0xffff, v3;
	_ =	sdelay $0x1  }
0x6e: {  	v3 =	vshll.u32 @!p1 v4, $0x4  }
0x6f: {  	v5 =	vand.u32 @!p1 $0x7, v4;
	v3 =	vand.u32 @!p1 $0xFFFFFF80, v3  }
0x70: {  	v8 =	vshrl.u32 @!p1 v6, $0x3;
	v7 =	vand.u32 @!p1 $0x7, v6;
	v3 =	vor.u32 @!p1 v5, v3  }
0x71: {  	v8 =	vmul.u32 @!p1 $0x8, v8;
	v7 =	vperm.xlane @!p1 v3, v7  }
0x72: {  	v5, _, _ =	vpop (xrf0)  }
0x73: {  	(v2sf) =	vpush v5, $0xF;
	v5 =	vadd.s32 @!p1 v8, v7;
	_ =	sdelay $0x3  }
0x74: {  	s23 =	simm.s32 @!p1 $0x8700;
	vm0 =	vmmov @!p1 $0xffff;
	s22 =	simm.s32 @!p1 $0x0;
	[tilespmem:$0x680] =	vst @!p1 v4  }
0x75: {  	[tilespmem:s23], [sflag:$0x2] =	stream.indirect_vreg.gather @!p1 [hbm4b:s2+s22], $0x80, v5, vm0, $0xb8;
	[tilespmem:$0x10700] =	vst v63  }
0x76: {  	s19 =	simm.s32 @!p1 $0x8F00  }
0x77: {  	[tilespmem:s19], [sflag:$0x2] =	stream.indirect_vreg.gather @!p1 [hbm4b:s7+s22], $0x80, v5, vm0, $0xb8;
	[tilespmem:$0x10700] =	vst v63  }
0x78: {  	s19 =	simm.s32 @!p1 $0x9700  }
0x79: {  	[tilespmem:s19], [sflag:$0x2] =	stream.indirect_vreg.gather @!p1 [hbm4b:s8+s22], $0x80, v5, vm0, $0xb8;
	[tilespmem:$0x10700] =	vst v63  }
0x7a: {  	s19 =	simm.s32 @!p1 $0x9F00  }
0x7b: {  	[tilespmem:s19], [sflag:$0x2] =	stream.indirect_vreg.gather @!p1 [hbm4b:s9+s22], $0x80, v5, vm0, $0xb8;
	[tilespmem:$0x10700] =	vst v63  }
0x7c: {  	s19 =	simm.s32 @!p1 $0xA700  }
0x7d: {  	v4 =	vor.u32 @!p1 $0x8, v6;
	[tilespmem:s19], [sflag:$0x2] =	stream.indirect_vreg.gather @!p1 [hbm4b:s10+s22], $0x80, v5, vm0, $0xb8;
	[tilespmem:$0x10700] =	vst v63  }
0x7e: {  	s24 =	simm.s32 @!p1 $0xAF00;
	v3 =	vperm.xlane @!p1 v3, v4  }
0x7f: {  	[tilespmem:s24], [sflag:$0x2] =	stream.indirect_vreg.gather @!p1 [hbm4b:s11+s22], $0x80, v5, vm0, $0xb8;
	[tilespmem:$0x10700] =	vst v63  }
0x80: {  	s25 =	simm.s32 @!p1 $0xB700;
	v3 =	vadd.s32 @!p1 v8, v3;
	s31 =	spop (v2sf)  }
0x81: {  	[tilespmem:s25], [sflag:$0x2] =	stream.indirect_vreg.gather @!p1 [hbm4b:s12+s22], $0x80, v5, vm0, $0xb8;
	[tilespmem:$0x10700] =	vst v63  }
0x82: {  	s26 =	simm.s32 @!p1 $0xBF00;
	s28 =	sxor.u32 $0x80000000, s31;
	s24 =	simm.s32 @!p1 $0xC700  }
0x83: {  	[tilespmem:s26], [sflag:$0x2] =	stream.indirect_vreg.gather @!p1 [hbm4b:s13+s22], $0x80, v5, vm0, $0xb8;
	[tilespmem:$0x10700] =	vst v63  }
0x84: {  	p4 =	sgt.s32 s31, $0xFFFFFFFF;
	s30 =	sand.u32 $0xF, s31;
	s29 =	sshra.s32 s28, $0x1F  }
0x85: {  	[tilespmem:s24], [sflag:$0x2] =	stream.indirect_vreg.gather @!p1 [hbm4b:s2+s22], $0x80, v3, vm0, $0xb8;
	[tilespmem:$0x10700] =	vst v63  }
0x86: {  	p3 =	slt.s32 s28, $0x1;
	p6 =	sne.s32 s30, $0x0;
	s26 =	simm.s32 @!p1 $0xCF00  }
0x87: {  	[tilespmem:s26], [sflag:$0x2] =	stream.indirect_vreg.gather @!p1 [hbm4b:s7+s22], $0x80, v3, vm0, $0xb8;
	[tilespmem:$0x10700] =	vst v63  }
0x88: {  	s25 =	sshrl.u32 s29, $0x1C;
	p3 =	por p4, p3;
	s24 =	simm.s32 @!p1 $0xD700  }
0x89: {  	[tilespmem:s24], [sflag:$0x2] =	stream.indirect_vreg.gather @!p1 [hbm4b:s8+s22], $0x80, v3, vm0, $0xb8;
	[tilespmem:$0x10700] =	vst v63  }
0x8a: {  	p3 =	por !p6, !p3;
	s19 =	sadd.s32 s25, s31;
	s24 =	simm.s32 @!p1 $0xDF00  }
0x8b: {  	[tilespmem:s24], [sflag:$0x2] =	stream.indirect_vreg.gather @!p1 [hbm4b:s9+s22], $0x80, v3, vm0, $0xb8;
	[tilespmem:$0x10700] =	vst v63  }
0x8c: {  	s25 =	simm.s32 @!p1 $0xE700;
	p3 =	por !p3, !p3;
	s24 =	simm.s32 $0xFFFFFFFF  }
0x8d: {  	[tilespmem:s25], [sflag:$0x2] =	stream.indirect_vreg.gather @!p1 [hbm4b:s10+s22], $0x80, v3, vm0, $0xb8;
	[tilespmem:$0x10700] =	vst v63  }
0x8e: {  	s31 =	sshll.u32 s19, $0x8;
	s19 =	simm.s32 @!p1 $0xEF00;
	s24 =	simm.s32 @!p3 $0x0  }
0x8f: {  	[tilespmem:s19], [sflag:$0x2] =	stream.indirect_vreg.gather @!p1 [hbm4b:s11+s22], $0x80, v3, vm0, $0xb8;
	[tilespmem:$0x10700] =	vst v63  }
0x90: {  	s25 =	simm.s32 @!p1 $0xF700;
	s19 =	sshll.u32 s24, $0xC;
	s24 =	sand.u32 $0xFFFFF000, s31  }
0x91: {  	[tilespmem:s25], [sflag:$0x2] =	stream.indirect_vreg.gather @!p1 [hbm4b:s12+s22], $0x80, v3, vm0, $0xb8;
	[tilespmem:$0x10700] =	vst v63  }
0x92: {  	s28 =	simm.s32 @!p0 $0x1;
	s26 =	simm.s32 @!p1 $0xFF00;
	s25 =	sadd.s32 @!p2 s24, s19  }
0x93: {  	[tilespmem:s26], [sflag:$0x2] =	stream.indirect_vreg.gather @!p1 [hbm4b:s13+s22], $0x80, v3, vm0, $0xb8;
	[tilespmem:$0x10700] =	vst v63  }
0x94: {  	s25 =	sand.u32 @!p2 $0x1FFFF000, s25;
	_ =	swait.ge @!p0 [sflag:s28], $0x8000  }
0x95: {  	s25 =	sadd.s32 @!p2 s4, s25;
	[sflag:s28] =	ssyncset.done @!p0 $0x0  }
0x96: {  	s26 =	sadd.s32 @!p1 s24, s19;
	[sflag:s28] =	ssyncadd.s32 @!p0 $0xFFFF8000;
	s28 =	simm.s32 @!p1 $0x2  }
0x97: {  	[hbm4b:s25+s20] =	stream.linear.scatter @!p0 [tilespmem:s21], [sflag:$0x3], $0x8000, $0x38;
	[tilespmem:$0x10700] =	vst v63  }
0x98: {  	s26 =	sadd.s32 @!p1 $0x1000, s26;
	_ =	swait.ge @!p1 [sflag:s28], $0x8000  }
0x99: {  	s20 =	sand.u32 @!p1 $0x1FFFF000, s26;
	[sflag:s28] =	ssyncset.done @!p1 $0x0  }
0x9a: {  	p2 =	sle.s32 s18, $0x20;
	s20 =	sadd.s32 @!p1 s4, s20;
	[sflag:s28] =	ssyncadd.s32 @!p1 $0xFFFF8000  }
0x9b: {  	[hbm4b:s20+s22] =	stream.linear.scatter @!p1 [tilespmem:s23], [sflag:$0x4], $0x8000, $0x38;
	[tilespmem:$0x10700] =	vst v63  }
0x9c: {  	v4 =	vlaneseq.u32 @!p2;
	s22 =	simm.s32 $0x20  }
0x9d: {  	s21 =	simm.s32 @!p0 $0x3;
	v6 =	vor.u32 @!p2 s22, v4  }
0x9e: {  	s20 =	sadd.s32 $0x2000, s24;
	_ =	swait.ge @!p0 [sflag:s21], $0x8000;
	vm0 =	vlt.s32 @!p2 v6, v2  }
0x9f: {  	s23 =	simm.s32 $0x40;
	s24 =	sadd.s32 @!p2 s20, s19;
	[sflag:s21] =	ssyncset.done @!p0 $0x0;
	v6 =	vsel @!p2 vm0, v6, v2  }
0xa0: {  	v3 =	vshrl.u32 @!p2 v4, $0x3;
	s25 =	sand.u32 @!p2 $0x1FFFF000, s24;
	s24 =	simm.s32 @!p1 $0x4;
	[sflag:s21] =	ssyncadd.s32 @!p0 $0xFFFF8000  }
0xa1: {  	v5 =	vand.u32 @!p2 $0x7, v4;
	v3 =	vmul.u32 @!p2 $0x8, v3;
	v4 =	vor.u32 @!p2 $0x8, v4;
	s21 =	sadd.s32 @!p2 s4, s25;
	p0 =	por p2, p2;
	_ =	swait.ge @!p1 [sflag:s24], $0x8000  }
.LBB2_4:
0xa2: {  	[sflag:s24] =	ssyncset.done @!p1 $0x0;
	s26 =	smov.u32 s23;
	s23 =	sadd.s32 $0x20, s23  }
0xa3: {  	s25 =	simm.s32 @!p0 $0x400;
	p2 =	sne.s32 s23, $0x200;
	[sflag:s24] =	ssyncadd.s32 @!p1 $0xFFFF8000  }
0xa4: {  	v6 =	vld.idx.msk @!p0 [tilespmem:v6+s25+$0x0], $0xffff;
	_ =	sdelay $0x5  }
0xa5: {  	v7 =	vand.u32 @!p0 $0x7, v6;
	v8 =	vshll.u32 @!p0 v6, $0x4  }
0xa6: {  	v8 =	vand.u32 @!p0 $0xFFFFFF80, v8  }
0xa7: {  	v7 =	vor.u32 @!p0 v7, v8  }
0xa8: {  	v5 =	vperm.xlane @!p0 v7, v5;
	v4 =	vperm.xlane @!p0 v7, v4;
	_ =	sdelay $0x1  }
0xa9: {  	v5 =	vadd.s32 @!p0 v3, v5;
	_ =	sdelay $0x3  }
0xaa: {  	vm0 =	vmmov @!p0 $0xffff;
	s24 =	simm.s32 @!p0 $0x0;
	s25 =	simm.s32 @!p0 $0x700;
	[tilespmem:$0x600] =	vst @!p0 v6  }
0xab: {  	[tilespmem:s25], [sflag:$0x1] =	stream.indirect_vreg.gather @!p0 [hbm4b:s2+s24], $0x80, v5, vm0, $0xb8;
	[tilespmem:$0x10700] =	vst v63  }
0xac: {  	s28 =	simm.s32 @!p0 $0xF00  }
0xad: {  	[tilespmem:s28], [sflag:$0x1] =	stream.indirect_vreg.gather @!p0 [hbm4b:s7+s24], $0x80, v5, vm0, $0xb8;
	[tilespmem:$0x10700] =	vst v63  }
0xae: {  	s28 =	simm.s32 @!p0 $0x1700  }
0xaf: {  	[tilespmem:s28], [sflag:$0x1] =	stream.indirect_vreg.gather @!p0 [hbm4b:s8+s24], $0x80, v5, vm0, $0xb8;
	[tilespmem:$0x10700] =	vst v63  }
0xb0: {  	s28 =	simm.s32 @!p0 $0x1F00  }
0xb1: {  	[tilespmem:s28], [sflag:$0x1] =	stream.indirect_vreg.gather @!p0 [hbm4b:s9+s24], $0x80, v5, vm0, $0xb8;
	[tilespmem:$0x10700] =	vst v63  }
0xb2: {  	s28 =	simm.s32 @!p0 $0x2700  }
0xb3: {  	[tilespmem:s28], [sflag:$0x1] =	stream.indirect_vreg.gather @!p0 [hbm4b:s10+s24], $0x80, v5, vm0, $0xb8;
	[tilespmem:$0x10700] =	vst v63  }
0xb4: {  	s28 =	simm.s32 @!p0 $0x2F00  }
0xb5: {  	[tilespmem:s28], [sflag:$0x1] =	stream.indirect_vreg.gather @!p0 [hbm4b:s11+s24], $0x80, v5, vm0, $0xb8;
	[tilespmem:$0x10700] =	vst v63  }
0xb6: {  	v3 =	vadd.s32 @!p0 v3, v4;
	s28 =	simm.s32 @!p0 $0x3700  }
0xb7: {  	[tilespmem:s28], [sflag:$0x1] =	stream.indirect_vreg.gather @!p0 [hbm4b:s12+s24], $0x80, v5, vm0, $0xb8;
	[tilespmem:$0x10700] =	vst v63  }
0xb8: {  	s28 =	simm.s32 @!p0 $0x3F00  }
0xb9: {  	[tilespmem:s28], [sflag:$0x1] =	stream.indirect_vreg.gather @!p0 [hbm4b:s13+s24], $0x80, v5, vm0, $0xb8;
	[tilespmem:$0x10700] =	vst v63  }
0xba: {  	s28 =	simm.s32 @!p0 $0x4700  }
0xbb: {  	[tilespmem:s28], [sflag:$0x1] =	stream.indirect_vreg.gather @!p0 [hbm4b:s2+s24], $0x80, v3, vm0, $0xb8;
	[tilespmem:$0x10700] =	vst v63  }
0xbc: {  	s28 =	simm.s32 @!p0 $0x4F00  }
0xbd: {  	[tilespmem:s28], [sflag:$0x1] =	stream.indirect_vreg.gather @!p0 [hbm4b:s7+s24], $0x80, v3, vm0, $0xb8;
	[tilespmem:$0x10700] =	vst v63  }
0xbe: {  	s28 =	simm.s32 @!p0 $0x5700  }
0xbf: {  	[tilespmem:s28], [sflag:$0x1] =	stream.indirect_vreg.gather @!p0 [hbm4b:s8+s24], $0x80, v3, vm0, $0xb8;
	[tilespmem:$0x10700] =	vst v63  }
0xc0: {  	s29 =	sadd.s32 $0x10, s22;
	s22 =	smov.u32 s26;
	s28 =	simm.s32 @!p0 $0x5F00  }
0xc1: {  	[tilespmem:s28], [sflag:$0x1] =	stream.indirect_vreg.gather @!p0 [hbm4b:s9+s24], $0x80, v3, vm0, $0xb8;
	[tilespmem:$0x10700] =	vst v63  }
0xc2: {  	s26 =	simm.s32 @!p0 $0x6700;
	p1 =	sge.s32 s29, s18  }
0xc3: {  	v4 =	vlaneseq.u32 @!p1;
	[tilespmem:s26], [sflag:$0x1] =	stream.indirect_vreg.gather @!p0 [hbm4b:s10+s24], $0x80, v3, vm0, $0xb8;
	[tilespmem:$0x10700] =	vst v63  }
0xc4: {  	v7 =	vshrl.u32 @!p1 v4, $0x3;
	v6 =	vand.u32 @!p1 $0x7, v4;
	v5 =	vor.u32 @!p1 s29, v4;
	s28 =	sadd.s32 @!p1 s20, s19;
	s26 =	simm.s32 @!p0 $0x6F00  }
0xc5: {  	v7 =	vmul.u32 @!p1 $0x8, v7;
	v4 =	vor.u32 @!p1 $0x8, v4;
	vm1 =	vlt.s32 @!p1 v5, v2;
	[tilespmem:s26], [sflag:$0x1] =	stream.indirect_vreg.gather @!p0 [hbm4b:s11+s24], $0x80, v3, vm0, $0xb8;
	[tilespmem:$0x10700] =	vst v63  }
0xc6: {  	v5 =	vsel @!p1 vm1, v5, v2;
	s28 =	sadd.s32 @!p1 $0x1000, s28;
	s26 =	simm.s32 @!p0 $0x7700  }
0xc7: {  	[tilespmem:s26], [sflag:$0x1] =	stream.indirect_vreg.gather @!p0 [hbm4b:s12+s24], $0x80, v3, vm0, $0xb8;
	[tilespmem:$0x10700] =	vst v63  }
0xc8: {  	s29 =	simm.s32 @!p1 $0x400;
	s28 =	sand.u32 @!p1 $0x1FFFF000, s28;
	s26 =	simm.s32 @!p0 $0x7F00  }
0xc9: {  	[tilespmem:s26], [sflag:$0x1] =	stream.indirect_vreg.gather @!p0 [hbm4b:s13+s24], $0x80, v3, vm0, $0xb8;
	[tilespmem:$0x10700] =	vst v63  }
0xca: {  	s26 =	sadd.s32 @!p1 s4, s28  }
0xcb: {  	v3 =	vld.idx.msk @!p1 [tilespmem:v5+s29+$0x0], $0xffff;
	_ =	sdelay $0x5  }
0xcc: {  	v5 =	vand.u32 @!p1 $0x7, v3;
	[tilespmem:$0x680] =	vst @!p1 v3;
	v3 =	vshll.u32 @!p1 v3, $0x4  }
0xcd: {  	v3 =	vand.u32 @!p1 $0xFFFFFF80, v3  }
0xce: {  	v3 =	vor.u32 @!p1 v5, v3  }
0xcf: {  	v5 =	vperm.xlane @!p1 v3, v6;
	v3 =	vperm.xlane @!p1 v3, v4;
	_ =	sdelay $0x1  }
0xd0: {  	v4 =	vadd.s32 @!p1 v7, v5;
	_ =	sdelay $0x2  }
0xd1: {  	vm0 =	vmmov @!p1 $0xffff;
	s28 =	simm.s32 @!p1 $0x0;
	s29 =	simm.s32 @!p1 $0x8700  }
0xd2: {  	s30 =	simm.s32 @!p1 $0x8F00  }
0xd3: {  	[tilespmem:s29], [sflag:$0x2] =	stream.indirect_vreg.gather @!p1 [hbm4b:s2+s28], $0x80, v4, vm0, $0xb8;
	[tilespmem:$0x10700] =	vst v63  }
0xd4: {  	s31 =	simm.s32 @!p1 $0x9700  }
0xd5: {  	[tilespmem:s30], [sflag:$0x2] =	stream.indirect_vreg.gather @!p1 [hbm4b:s7+s28], $0x80, v4, vm0, $0xb8;
	[tilespmem:$0x10700] =	vst v63  }
0xd6: {  	s30 =	simm.s32 @!p1 $0x9F00  }
0xd7: {  	[tilespmem:s31], [sflag:$0x2] =	stream.indirect_vreg.gather @!p1 [hbm4b:s8+s28], $0x80, v4, vm0, $0xb8;
	[tilespmem:$0x10700] =	vst v63  }
0xd8: {  	s31 =	simm.s32 @!p1 $0xA700  }
0xd9: {  	[tilespmem:s30], [sflag:$0x2] =	stream.indirect_vreg.gather @!p1 [hbm4b:s9+s28], $0x80, v4, vm0, $0xb8;
	[tilespmem:$0x10700] =	vst v63  }
0xda: {  	s30 =	simm.s32 @!p1 $0xAF00  }
0xdb: {  	[tilespmem:s31], [sflag:$0x2] =	stream.indirect_vreg.gather @!p1 [hbm4b:s10+s28], $0x80, v4, vm0, $0xb8;
	[tilespmem:$0x10700] =	vst v63  }
0xdc: {  	s31 =	simm.s32 @!p1 $0xB700  }
0xdd: {  	v3 =	vadd.s32 @!p1 v7, v3;
	[tilespmem:s30], [sflag:$0x2] =	stream.indirect_vreg.gather @!p1 [hbm4b:s11+s28], $0x80, v4, vm0, $0xb8;
	[tilespmem:$0x10700] =	vst v63  }
0xde: {  	s30 =	simm.s32 @!p1 $0xBF00  }
0xdf: {  	[tilespmem:s31], [sflag:$0x2] =	stream.indirect_vreg.gather @!p1 [hbm4b:s12+s28], $0x80, v4, vm0, $0xb8;
	[tilespmem:$0x10700] =	vst v63  }
0xe0: {  	s31 =	simm.s32 @!p1 $0xC700  }
0xe1: {  	[tilespmem:s30], [sflag:$0x2] =	stream.indirect_vreg.gather @!p1 [hbm4b:s13+s28], $0x80, v4, vm0, $0xb8;
	[tilespmem:$0x10700] =	vst v63  }
0xe2: {  	s30 =	simm.s32 @!p1 $0xCF00  }
0xe3: {  	[tilespmem:s31], [sflag:$0x2] =	stream.indirect_vreg.gather @!p1 [hbm4b:s2+s28], $0x80, v3, vm0, $0xb8;
	[tilespmem:$0x10700] =	vst v63  }
0xe4: {  	s31 =	simm.s32 @!p1 $0xD700  }
0xe5: {  	[tilespmem:s30], [sflag:$0x2] =	stream.indirect_vreg.gather @!p1 [hbm4b:s7+s28], $0x80, v3, vm0, $0xb8;
	[tilespmem:$0x10700] =	vst v63  }
0xe6: {  	s30 =	simm.s32 @!p1 $0xDF00  }
0xe7: {  	[tilespmem:s31], [sflag:$0x2] =	stream.indirect_vreg.gather @!p1 [hbm4b:s8+s28], $0x80, v3, vm0, $0xb8;
	[tilespmem:$0x10700] =	vst v63  }
0xe8: {  	s31 =	simm.s32 @!p1 $0xE700  }
0xe9: {  	[tilespmem:s30], [sflag:$0x2] =	stream.indirect_vreg.gather @!p1 [hbm4b:s9+s28], $0x80, v3, vm0, $0xb8;
	[tilespmem:$0x10700] =	vst v63  }
0xea: {  	s30 =	simm.s32 @!p1 $0xEF00  }
0xeb: {  	[tilespmem:s31], [sflag:$0x2] =	stream.indirect_vreg.gather @!p1 [hbm4b:s10+s28], $0x80, v3, vm0, $0xb8;
	[tilespmem:$0x10700] =	vst v63  }
0xec: {  	s31 =	simm.s32 @!p1 $0xF700  }
0xed: {  	[tilespmem:s30], [sflag:$0x2] =	stream.indirect_vreg.gather @!p1 [hbm4b:s11+s28], $0x80, v3, vm0, $0xb8;
	[tilespmem:$0x10700] =	vst v63  }
0xee: {  	s30 =	simm.s32 @!p1 $0xFF00  }
0xef: {  	[tilespmem:s31], [sflag:$0x2] =	stream.indirect_vreg.gather @!p1 [hbm4b:s12+s28], $0x80, v3, vm0, $0xb8;
	[tilespmem:$0x10700] =	vst v63  }
0xf0: {  	s31 =	simm.s32 @!p0 $0x1  }
0xf1: {  	[tilespmem:s30], [sflag:$0x2] =	stream.indirect_vreg.gather @!p1 [hbm4b:s13+s28], $0x80, v3, vm0, $0xb8;
	[tilespmem:$0x10700] =	vst v63  }
0xf2: {  	_ =	swait.ge @!p0 [sflag:s31], $0x8000  }
0xf3: {  	[sflag:s31] =	ssyncset.done @!p0 $0x0  }
0xf4: {  	s30 =	simm.s32 @!p1 $0x2;
	[sflag:s31] =	ssyncadd.s32 @!p0 $0xFFFF8000  }
0xf5: {  	[hbm4b:s21+s24] =	stream.linear.scatter @!p0 [tilespmem:s25], [sflag:$0x3], $0x8000, $0x38;
	[tilespmem:$0x10700] =	vst v63  }
0xf6: {  	s20 =	sadd.s32 $0x2000, s20;
	_ =	swait.ge @!p1 [sflag:s30], $0x8000  }
0xf7: {  	p3 =	sge.s32 s22, s18;
	s25 =	simm.s32 @!p0 $0x3;
	[sflag:s30] =	ssyncset.done @!p1 $0x0  }
0xf8: {  	v4 =	vlaneseq.u32 @!p3;
	s21 =	sadd.s32 @!p3 s20, s19;
	[sflag:s30] =	ssyncadd.s32 @!p1 $0xFFFF8000  }
0xf9: {  	[hbm4b:s26+s28] =	stream.linear.scatter @!p1 [tilespmem:s29], [sflag:$0x4], $0x8000, $0x38;
	[tilespmem:$0x10700] =	vst v63  }
.Ltmp1:
0xfa: {  	v6 =	vor.u32 @!p3 s22, v4;
	v5 =	vand.u32 @!p3 $0x7, v4;
	v3 =	vshrl.u32 @!p3 v4, $0x3;
	(pc) =	sbr.rel @p2 .LBB2_4-.Ltmp1, $4  }
0xfb: {  	vm0 =	vlt.s32 @!p3 v6, v2;
	v4 =	vor.u32 @!p3 $0x8, v4;
	v3 =	vmul.u32 @!p3 $0x8, v3;
	s21 =	sand.u32 @!p3 $0x1FFFF000, s21;
	_ =	swait.ge @!p0 [sflag:s25], $0x8000  }
0xfc: {  	v6 =	vsel @!p3 vm0, v6, v2;
	s24 =	simm.s32 @!p1 $0x4;
	s21 =	sadd.s32 @!p3 s4, s21;
	[sflag:s25] =	ssyncset.done @!p0 $0x0  }
0xfd: {  	[sflag:s25] =	ssyncadd.s32 @!p0 $0xFFFF8000;
	p0 =	por p3, p3  }
0xfe: {  	_ =	swait.ge @!p1 [sflag:s24], $0x8000  }
0xff: {  	_ =	sdelay $0x1  }
0x100: {  	[sflag:s24] =	ssyncset.done @!p1 $0x0  }
0x101: {  	s23 =	simm.s32 @!p0 $0x400;
	[sflag:s24] =	ssyncadd.s32 @!p1 $0xFFFF8000  }
0x102: {  	v6 =	vld.idx.msk @!p0 [tilespmem:v6+s23+$0x0], $0xffff;
	_ =	sdelay $0x4  }
0x103: {  	v7 =	vshll.u32 @!p0 v6, $0x4  }
0x104: {  	v8 =	vand.u32 @!p0 $0x7, v6;
	v7 =	vand.u32 @!p0 $0xFFFFFF80, v7  }
0x105: {  	v7 =	vor.u32 @!p0 v8, v7  }
0x106: {  	v5 =	vperm.xlane @!p0 v7, v5;
	_ =	sdelay $0x1  }
0x107: {  	v5 =	vadd.s32 @!p0 v3, v5;
	_ =	sdelay $0x3  }
0x108: {  	vm0 =	vmmov @!p0 $0xffff;
	s24 =	simm.s32 @!p0 $0x700;
	s23 =	simm.s32 @!p0 $0x0;
	[tilespmem:$0x600] =	vst @!p0 v6  }
0x109: {  	[tilespmem:s24], [sflag:$0x1] =	stream.indirect_vreg.gather @!p0 [hbm4b:s2+s23], $0x80, v5, vm0, $0xb8;
	[tilespmem:$0x10700] =	vst v63  }
0x10a: {  	s25 =	simm.s32 @!p0 $0xF00  }
0x10b: {  	[tilespmem:s25], [sflag:$0x1] =	stream.indirect_vreg.gather @!p0 [hbm4b:s7+s23], $0x80, v5, vm0, $0xb8;
	[tilespmem:$0x10700] =	vst v63  }
0x10c: {  	s25 =	simm.s32 @!p0 $0x1700  }
0x10d: {  	[tilespmem:s25], [sflag:$0x1] =	stream.indirect_vreg.gather @!p0 [hbm4b:s8+s23], $0x80, v5, vm0, $0xb8;
	[tilespmem:$0x10700] =	vst v63  }
0x10e: {  	s25 =	simm.s32 @!p0 $0x1F00  }
0x10f: {  	[tilespmem:s25], [sflag:$0x1] =	stream.indirect_vreg.gather @!p0 [hbm4b:s9+s23], $0x80, v5, vm0, $0xb8;
	[tilespmem:$0x10700] =	vst v63  }
0x110: {  	s25 =	simm.s32 @!p0 $0x2700  }
0x111: {  	[tilespmem:s25], [sflag:$0x1] =	stream.indirect_vreg.gather @!p0 [hbm4b:s10+s23], $0x80, v5, vm0, $0xb8;
	[tilespmem:$0x10700] =	vst v63  }
0x112: {  	v4 =	vperm.xlane @!p0 v7, v4;
	s25 =	simm.s32 @!p0 $0x2F00  }
0x113: {  	[tilespmem:s25], [sflag:$0x1] =	stream.indirect_vreg.gather @!p0 [hbm4b:s11+s23], $0x80, v5, vm0, $0xb8;
	[tilespmem:$0x10700] =	vst v63  }
0x114: {  	v3 =	vadd.s32 @!p0 v3, v4;
	s25 =	simm.s32 @!p0 $0x3700  }
0x115: {  	[tilespmem:s25], [sflag:$0x1] =	stream.indirect_vreg.gather @!p0 [hbm4b:s12+s23], $0x80, v5, vm0, $0xb8;
	[tilespmem:$0x10700] =	vst v63  }
0x116: {  	s25 =	simm.s32 @!p0 $0x3F00  }
0x117: {  	[tilespmem:s25], [sflag:$0x1] =	stream.indirect_vreg.gather @!p0 [hbm4b:s13+s23], $0x80, v5, vm0, $0xb8;
	[tilespmem:$0x10700] =	vst v63  }
0x118: {  	s25 =	simm.s32 @!p0 $0x4700  }
0x119: {  	[tilespmem:s25], [sflag:$0x1] =	stream.indirect_vreg.gather @!p0 [hbm4b:s2+s23], $0x80, v3, vm0, $0xb8;
	[tilespmem:$0x10700] =	vst v63  }
0x11a: {  	s25 =	simm.s32 @!p0 $0x4F00  }
0x11b: {  	[tilespmem:s25], [sflag:$0x1] =	stream.indirect_vreg.gather @!p0 [hbm4b:s7+s23], $0x80, v3, vm0, $0xb8;
	[tilespmem:$0x10700] =	vst v63  }
0x11c: {  	s22 =	sadd.s32 $0x10, s22;
	s25 =	simm.s32 @!p0 $0x5700  }
0x11d: {  	[tilespmem:s25], [sflag:$0x1] =	stream.indirect_vreg.gather @!p0 [hbm4b:s8+s23], $0x80, v3, vm0, $0xb8;
	[tilespmem:$0x10700] =	vst v63  }
0x11e: {  	p1 =	sge.s32 s22, s18;
	s25 =	simm.s32 @!p0 $0x5F00  }
0x11f: {  	[tilespmem:s25], [sflag:$0x1] =	stream.indirect_vreg.gather @!p0 [hbm4b:s9+s23], $0x80, v3, vm0, $0xb8;
	[tilespmem:$0x10700] =	vst v63  }
0x120: {  	s18 =	simm.s32 @!p0 $0x6700;
	v4 =	vlaneseq.u32 @!p1  }
0x121: {  	v5 =	vor.u32 @!p1 s22, v4;
	[tilespmem:s18], [sflag:$0x1] =	stream.indirect_vreg.gather @!p0 [hbm4b:s10+s23], $0x80, v3, vm0, $0xb8;
	[tilespmem:$0x10700] =	vst v63  }
0x122: {  	vm1 =	vlt.s32 @!p1 v5, v2;
	s18 =	simm.s32 @!p0 $0x6F00  }
0x123: {  	v2 =	vsel @!p1 vm1, v5, v2;
	[tilespmem:s18], [sflag:$0x1] =	stream.indirect_vreg.gather @!p0 [hbm4b:s11+s23], $0x80, v3, vm0, $0xb8;
	[tilespmem:$0x10700] =	vst v63  }
0x124: {  	s18 =	simm.s32 @!p0 $0x7700  }
0x125: {  	[tilespmem:s18], [sflag:$0x1] =	stream.indirect_vreg.gather @!p0 [hbm4b:s12+s23], $0x80, v3, vm0, $0xb8;
	[tilespmem:$0x10700] =	vst v63  }
0x126: {  	s22 =	simm.s32 @!p1 $0x400;
	s18 =	simm.s32 @!p0 $0x7F00  }
0x127: {  	[tilespmem:s18], [sflag:$0x1] =	stream.indirect_vreg.gather @!p0 [hbm4b:s13+s23], $0x80, v3, vm0, $0xb8;
	[tilespmem:$0x10700] =	vst v63  }
0x128: {  	v2 =	vld.idx.msk @!p1 [tilespmem:v2+s22+$0x0], $0xffff;
	_ =	sdelay $0x4  }
0x129: {  	v3 =	vshll.u32 @!p1 v2, $0x4  }
0x12a: {  	v5 =	vand.u32 @!p1 $0x7, v2;
	v3 =	vand.u32 @!p1 $0xFFFFFF80, v3  }
0x12b: {  	v6 =	vand.u32 @!p1 $0x7, v4;
	v7 =	vshrl.u32 @!p1 v4, $0x3;
	v3 =	vor.u32 @!p1 v5, v3  }
0x12c: {  	v5 =	vmul.u32 @!p1 $0x8, v7;
	v6 =	vperm.xlane @!p1 v3, v6;
	_ =	sdelay $0x1  }
0x12d: {  	v6 =	vadd.s32 @!p1 v5, v6;
	_ =	sdelay $0x3  }
0x12e: {  	vm0 =	vmmov @!p1 $0xffff;
	s18 =	simm.s32 @!p1 $0x0;
	s22 =	simm.s32 @!p1 $0x8700;
	[tilespmem:$0x680] =	vst @!p1 v2  }
0x12f: {  	[tilespmem:s22], [sflag:$0x2] =	stream.indirect_vreg.gather @!p1 [hbm4b:s2+s18], $0x80, v6, vm0, $0xb8;
	[tilespmem:$0x10700] =	vst v63  }
0x130: {  	s25 =	simm.s32 @!p1 $0x8F00  }
0x131: {  	[tilespmem:s25], [sflag:$0x2] =	stream.indirect_vreg.gather @!p1 [hbm4b:s7+s18], $0x80, v6, vm0, $0xb8;
	[tilespmem:$0x10700] =	vst v63  }
0x132: {  	s25 =	simm.s32 @!p1 $0x9700  }
0x133: {  	[tilespmem:s25], [sflag:$0x2] =	stream.indirect_vreg.gather @!p1 [hbm4b:s8+s18], $0x80, v6, vm0, $0xb8;
	[tilespmem:$0x10700] =	vst v63  }
0x134: {  	s25 =	simm.s32 @!p1 $0x9F00  }
0x135: {  	[tilespmem:s25], [sflag:$0x2] =	stream.indirect_vreg.gather @!p1 [hbm4b:s9+s18], $0x80, v6, vm0, $0xb8;
	[tilespmem:$0x10700] =	vst v63  }
0x136: {  	s25 =	simm.s32 @!p1 $0xA700  }
0x137: {  	v2 =	vor.u32 @!p1 $0x8, v4;
	[tilespmem:s25], [sflag:$0x2] =	stream.indirect_vreg.gather @!p1 [hbm4b:s10+s18], $0x80, v6, vm0, $0xb8;
	[tilespmem:$0x10700] =	vst v63  }
0x138: {  	v2 =	vperm.xlane @!p1 v3, v2;
	s25 =	simm.s32 @!p1 $0xAF00  }
0x139: {  	[tilespmem:s25], [sflag:$0x2] =	stream.indirect_vreg.gather @!p1 [hbm4b:s11+s18], $0x80, v6, vm0, $0xb8;
	[tilespmem:$0x10700] =	vst v63  }
0x13a: {  	v2 =	vadd.s32 @!p1 v5, v2;
	s25 =	simm.s32 @!p1 $0xB700  }
0x13b: {  	[tilespmem:s25], [sflag:$0x2] =	stream.indirect_vreg.gather @!p1 [hbm4b:s12+s18], $0x80, v6, vm0, $0xb8;
	[tilespmem:$0x10700] =	vst v63  }
0x13c: {  	s25 =	simm.s32 @!p1 $0xBF00  }
0x13d: {  	[tilespmem:s25], [sflag:$0x2] =	stream.indirect_vreg.gather @!p1 [hbm4b:s13+s18], $0x80, v6, vm0, $0xb8;
	[tilespmem:$0x10700] =	vst v63  }
0x13e: {  	s25 =	simm.s32 @!p1 $0xC700  }
0x13f: {  	[tilespmem:s25], [sflag:$0x2] =	stream.indirect_vreg.gather @!p1 [hbm4b:s2+s18], $0x80, v2, vm0, $0xb8;
	[tilespmem:$0x10700] =	vst v63  }
0x140: {  	s25 =	simm.s32 @!p1 $0xCF00  }
0x141: {  	[tilespmem:s25], [sflag:$0x2] =	stream.indirect_vreg.gather @!p1 [hbm4b:s7+s18], $0x80, v2, vm0, $0xb8;
	[tilespmem:$0x10700] =	vst v63  }
0x142: {  	s25 =	simm.s32 @!p1 $0xD700  }
0x143: {  	[tilespmem:s25], [sflag:$0x2] =	stream.indirect_vreg.gather @!p1 [hbm4b:s8+s18], $0x80, v2, vm0, $0xb8;
	[tilespmem:$0x10700] =	vst v63  }
0x144: {  	s25 =	simm.s32 @!p1 $0xDF00  }
0x145: {  	[tilespmem:s25], [sflag:$0x2] =	stream.indirect_vreg.gather @!p1 [hbm4b:s9+s18], $0x80, v2, vm0, $0xb8;
	[tilespmem:$0x10700] =	vst v63  }
0x146: {  	s25 =	simm.s32 @!p1 $0xE700  }
0x147: {  	[tilespmem:s25], [sflag:$0x2] =	stream.indirect_vreg.gather @!p1 [hbm4b:s10+s18], $0x80, v2, vm0, $0xb8;
	[tilespmem:$0x10700] =	vst v63  }
0x148: {  	s25 =	simm.s32 @!p1 $0xEF00  }
0x149: {  	[tilespmem:s25], [sflag:$0x2] =	stream.indirect_vreg.gather @!p1 [hbm4b:s11+s18], $0x80, v2, vm0, $0xb8;
	[tilespmem:$0x10700] =	vst v63  }
0x14a: {  	s25 =	simm.s32 @!p1 $0xF700  }
0x14b: {  	[tilespmem:s25], [sflag:$0x2] =	stream.indirect_vreg.gather @!p1 [hbm4b:s12+s18], $0x80, v2, vm0, $0xb8;
	[tilespmem:$0x10700] =	vst v63  }
0x14c: {  	s25 =	simm.s32 @!p1 $0xFF00  }
0x14d: {  	[tilespmem:s25], [sflag:$0x2] =	stream.indirect_vreg.gather @!p1 [hbm4b:s13+s18], $0x80, v2, vm0, $0xb8;
	[tilespmem:$0x10700] =	vst v63  }
0x14e: {  	s25 =	simm.s32 @!p0 $0x1  }
0x14f: {  	_ =	swait.ge @!p0 [sflag:s25], $0x8000  }
0x150: {  	[sflag:s25] =	ssyncset.done @!p0 $0x0  }
0x151: {  	s19 =	sadd.s32 @!p1 s20, s19;
	s20 =	simm.s32 @!p1 $0x2;
	[sflag:s25] =	ssyncadd.s32 @!p0 $0xFFFF8000  }
0x152: {  	[hbm4b:s21+s23] =	stream.linear.scatter @!p0 [tilespmem:s24], [sflag:$0x3], $0x8000, $0x38;
	[tilespmem:$0x10700] =	vst v63  }
0x153: {  	s19 =	sadd.s32 @!p1 $0x1000, s19;
	_ =	swait.ge @!p1 [sflag:s20], $0x8000  }
0x154: {  	s19 =	sand.u32 @!p1 $0x1FFFF000, s19;
	[sflag:s20] =	ssyncset.done @!p1 $0x0  }
0x155: {  	s19 =	sadd.s32 @!p1 s4, s19;
	s21 =	simm.s32 @!p0 $0x3;
	[sflag:s20] =	ssyncadd.s32 @!p1 $0xFFFF8000  }
0x156: {  	[hbm4b:s19+s18] =	stream.linear.scatter @!p1 [tilespmem:s22], [sflag:$0x4], $0x8000, $0x38;
	[tilespmem:$0x10700] =	vst v63  }
0x157: {  	_ =	swait.ge @!p0 [sflag:s21], $0x8000  }
0x158: {  	s17 =	sadd.s32 $0x1, s17;
	[sflag:s21] =	ssyncset.done @!p0 $0x0  }
0x159: {  	[sflag:s21] =	ssyncadd.s32 @!p0 $0xFFFF8000;
	p0 =	sne.s32 s17, s14  }
.Ltmp2:
0x15a: {  	_ = 	snop;
	(pc) =	sbr.rel @p0 .LBB2_1-.Ltmp2, $4  }
0x15b: {  	s18 =	simm.s32 @!p1 $0x4  }
0x15c: {  	_ =	swait.ge @!p1 [sflag:s18], $0x8000  }
0x15d: {  	[sflag:s18] =	ssyncset.done @!p1 $0x0  }
0x15e: {  	[sflag:s18] =	ssyncadd.s32 @!p1 $0xFFFF8000  }
0x15f: {  	_ =	sfence.sel $0x180000  }
0x160: {  	[bflag:$0x0] =	sbarrier.arrive $0xFFFF  }
0x161: {  	p0 =	sne.s32 s0, $0x0;
	_ =	strace $0x90000047  }
0x162: {  	s0 =	sadd.s32 @!p0 $0x100000, s1;
	[bflag:$0x2] =	sbarrier.arrive $0xFFFF  }
0x163: {  	[sflag:s0] =	ssyncadd.tile.s32 @!p0 $0x1;
	_ =	shalt  }
.Lfunc_end2:
_tile_overlayer_lowered:
.L_overlay_start_2:
0x164: {  	(tag) =	ssettag $0x2  }
0x165: {  	s0 =	rddreg [dreg:$0x0];
	s2 =	stileid.u32  }
0x166: {  	s1 =	rddreg [dreg:$0x1];
	p0 =	sne.s32 s2, $0x0  }
0x167: {  	s3 =	rddreg [dreg:$0x2];
	[bflag:$0x3] =	sbarrier.arrive $0xFFFF;
	s2 =	simm.s32 @!p0 $0x1C05  }
0x168: {  	[timem:s3], [sflag:s2] =	dma.local @!p0 [hbm:s0], s1  }
0x169: {  	s0 =	simm.s32 @!p0 $0x5  }
0x16a: {  	_ =	swait.ge @!p0 [sflag:s0], s1  }
0x16b: {  	s1 =	ssub.s32 @!p0 $0x0, s1;
	[sflag:s0] =	ssyncset.done @!p0 $0x0  }
0x16c: {  	[sflag:s0] =	ssyncadd.s32 @!p0 s1  }
0x16d: {  	[bflag:$0x3] =	sbarrier.arrive $0xFFFF  }
0x16e: {  	_ =	shalt  }

</sc_bundles>
